<compile_context>
chip_gen: v7x
topology: tpu7x:2x2x1
jax: 0.10.2.dev20260603
libtpu: 0.0.44.dev20260713+nightly
codegen_flags: <defaults>
</compile_context>

<pallas_src>
import jax
import jax.numpy as jnp
from jax import lax
from jax.experimental import pallas as pl
from jax.experimental.pallas import tpu as pltpu
from jax.experimental.pallas import tpu_sc as plsc

S = 2048
M = 768
E = 8
MID = 3072
OUT = 768
C = 512
EC = E * C
LANES = 128
NW = 32
L = 16
ROWS_DISP = EC // NW
ROWS_COMB = S // NW
BM = 512
KM = MID // BM
SENT_SLOT = EC



def _gating_body(x_ref, wg_ref, dst_ref, gate_ref, laux_ref):
    x = x_ref[...]
    wg = wg_ref[...]
    logits = jnp.dot(x, wg, preferred_element_type=jnp.float32)
    col = lax.broadcasted_iota(jnp.int32, (S, LANES), 1)
    valid = col < E
    logits = jnp.where(valid, logits, -1e30)
    mx = jnp.max(logits, axis=1, keepdims=True)
    p = jnp.exp(logits - mx)
    probs = p / jnp.sum(p, axis=1, keepdims=True)
    pm = jnp.max(probs, axis=1, keepdims=True)
    is_max = probs == pm
    eidx = jnp.min(jnp.where(is_max, col, LANES), axis=1, keepdims=True)
    onehot = jnp.where((col == eidx) & valid, 1.0, 0.0)
    c = onehot
    k = 1
    while k < S:
        shifted = jnp.concatenate(
            [jnp.zeros((k, LANES), jnp.float32), c[: S - k, :]], axis=0)
        c = c + shifted
        k *= 2
    pos = jnp.sum(c * onehot, axis=1, keepdims=True).astype(jnp.int32) - 1
    kept = pos < C
    dst = jnp.where(kept, eidx * C + pos, SENT_SLOT)
    dst_ref[...] = dst.astype(jnp.int32).reshape(S // LANES, LANES)
    gate = jnp.sum(probs * onehot, axis=1, keepdims=True)
    gate_ref[...] = gate.reshape(S // LANES, LANES)
    counts = jnp.sum(onehot, axis=0, keepdims=True)
    me = jnp.sum(probs, axis=0, keepdims=True) / S
    laux_ref[...] = jnp.sum(me * (counts / S), axis=1, keepdims=True) * E


def _gating(x, wg_pad):
    return pl.pallas_call(
        _gating_body,
        out_shape=(
            jax.ShapeDtypeStruct((S // LANES, LANES), jnp.int32),
            jax.ShapeDtypeStruct((S // LANES, LANES), jnp.float32),
            jax.ShapeDtypeStruct((1, 1), jnp.float32),
        ),
    )(x, wg_pad)



def _dispatch_body(dst_hbm, gate_hbm, feat_hbm, disp_hbm, scale_hbm,
                   dst_v, gate_v, slot_v, scale_v, rows_v, sem):
    wid = lax.axis_index("s") * 2 + lax.axis_index("c")
    base = wid * ROWS_DISP
    pltpu.sync_copy(dst_hbm, dst_v)
    pltpu.sync_copy(gate_hbm, gate_v)
    for j in range(ROWS_DISP // L):
        dflt = (lax.iota(jnp.int32, L) + (base + j * L)) & (S - 1)
        slot_v[pl.ds(j * L, L)] = dflt

    def build(i, _):
        idx = dst_v[pl.ds(i * L, L)] - base
        m = (idx >= 0) & (idx < ROWS_DISP)
        tok = lax.iota(jnp.int32, L) + i * L
        plsc.store_scatter(slot_v, [idx], tok, mask=m)
        return 0
    lax.fori_loop(0, S // L, build, 0)

    for j in range(ROWS_DISP // L):
        sidx = slot_v[pl.ds(j * L, L)]
        scale_v[pl.ds(j * L, L)] = plsc.load_gather(gate_v, [sidx])
    pltpu.sync_copy(scale_v, scale_hbm.at[pl.ds(base, ROWS_DISP)])

    pltpu.async_copy(feat_hbm.at[slot_v], rows_v, sem).wait()
    pltpu.sync_copy(rows_v, disp_hbm.at[pl.ds(base, ROWS_DISP)])


def _dispatch(dst, gate, feat):
    mesh = plsc.VectorSubcoreMesh(core_axis_name="c", subcore_axis_name="s")
    return pl.kernel(
        _dispatch_body,
        out_type=(
            jax.ShapeDtypeStruct((EC, M), jnp.float32),
            jax.ShapeDtypeStruct((EC,), jnp.float32),
        ),
        mesh=mesh,
        compiler_params=pltpu.CompilerParams(needs_layout_passes=False),
        scratch_types=[
            pltpu.VMEM((S,), jnp.int32),
            pltpu.VMEM((S,), jnp.float32),
            pltpu.VMEM((ROWS_DISP,), jnp.int32),
            pltpu.VMEM((ROWS_DISP,), jnp.float32),
            pltpu.VMEM((ROWS_DISP, M), jnp.float32),
            pltpu.SemaphoreType.DMA,
        ],
    )(dst, gate, feat)



def _ffn_body(x_ref, w1_ref, b1_ref, w2_ref, b2_ref, sc_ref, o_ref, acc_ref):
    k = pl.program_id(1)

    @pl.when(k == 0)
    def _():
        acc_ref[...] = jnp.zeros_like(acc_ref)

    h = jnp.dot(x_ref[...].astype(jnp.bfloat16), w1_ref[0].astype(jnp.bfloat16),
                preferred_element_type=jnp.float32)
    h = jnp.maximum(h + b1_ref[0, 0, 0][None, :], 0.0)
    acc_ref[...] += jnp.dot(h.astype(jnp.bfloat16), w2_ref[0].astype(jnp.bfloat16),
                            preferred_element_type=jnp.float32)

    @pl.when(k == KM - 1)
    def _():
        o_ref[...] = (acc_ref[...] + b2_ref[0, 0][None, :]) * sc_ref[...]


def _ffn(disp, w1, b1, w2, b2, scale):
    ce = lambda e: jnp.minimum(e, E - 1)
    return pl.pallas_call(
        _ffn_body,
        grid=(E + 1, KM),
        in_specs=[
            pl.BlockSpec((C, M), lambda e, k: (ce(e), 0)),
            pl.BlockSpec((1, M, BM), lambda e, k: (ce(e), 0, k)),
            pl.BlockSpec((1, 1, 1, BM), lambda e, k: (ce(e), k, 0, 0)),
            pl.BlockSpec((1, BM, OUT), lambda e, k: (ce(e), k, 0)),
            pl.BlockSpec((1, 1, OUT), lambda e, k: (ce(e), 0, 0)),
            pl.BlockSpec((C, 1), lambda e, k: (e, 0)),
        ],
        out_specs=pl.BlockSpec((C, OUT), lambda e, k: (e, 0)),
        out_shape=jax.ShapeDtypeStruct((EC + C, OUT), jnp.float32),
        scratch_shapes=[pltpu.VMEM((C, OUT), jnp.float32)],
        compiler_params=pltpu.CompilerParams(
            dimension_semantics=("arbitrary", "arbitrary")),
    )(disp, w1, b1.reshape(E, KM, 1, BM), w2, b2.reshape(E, 1, OUT), scale)



def _combine_body(dst_hbm, sout_hbm, out_hbm, idx_v, rows_v, sem):
    wid = lax.axis_index("s") * 2 + lax.axis_index("c")
    base = wid * ROWS_COMB
    pltpu.sync_copy(dst_hbm.at[pl.ds(base, ROWS_COMB)], idx_v)
    pltpu.async_copy(sout_hbm.at[idx_v], rows_v, sem).wait()
    pltpu.sync_copy(rows_v, out_hbm.at[pl.ds(base, ROWS_COMB)])


def _combine(dst, sout):
    mesh = plsc.VectorSubcoreMesh(core_axis_name="c", subcore_axis_name="s")
    return pl.kernel(
        _combine_body,
        out_type=jax.ShapeDtypeStruct((S, OUT), jnp.float32),
        mesh=mesh,
        compiler_params=pltpu.CompilerParams(needs_layout_passes=False),
        scratch_types=[
            pltpu.VMEM((ROWS_COMB,), jnp.int32),
            pltpu.VMEM((ROWS_COMB, OUT), jnp.float32),
            pltpu.SemaphoreType.DMA,
        ],
    )(dst, sout)



@jax.jit
def kernel(hidden_states, Wg, W1, b1, W2, b2):
    b, t, m = hidden_states.shape
    feat = hidden_states.reshape(S, M)
    wg_pad = jnp.zeros((M, LANES), jnp.float32).at[:, :E].set(Wg)
    dst2, gate2, laux = _gating(feat, wg_pad)
    dst = dst2.reshape(S)
    disp, scale = _dispatch(dst, gate2.reshape(S), feat)
    scale_full = jnp.concatenate([scale, jnp.zeros((C,), jnp.float32)])
    sout = _ffn(disp, W1, b1, W2, b2, scale_full.reshape(EC + C, 1))
    combined = _combine(dst, sout)
    return combined.reshape(b, t, OUT), laux.reshape(())

# --- scband reference (transcript-rebuilt; emitter-appended) ---
"""Pipeline reference for scband-base-layer-32160715112901 (READ-ONLY COPY).

The authoritative reference and input builder live on the scoring server;
editing this copy changes nothing except your own understanding.
"""

import jax, jax.numpy as jnp
import numpy as np

B, T, M = 1, 2048, 768
E, MID, OUT = 8, 3072, 768
CAP_FACTOR = 2


def setup_inputs(seed: int = 0) -> dict:
    key = jax.random.key(seed)
    ks = jax.random.split(key, 6)
    hidden_states = jax.random.normal(ks[0], (B, T, M), dtype=jnp.float32)
    Wg = jax.random.normal(ks[1], (M, E), dtype=jnp.float32) * 0.02
    W1 = jax.random.normal(ks[2], (E, M, MID), dtype=jnp.float32) * 0.02
    b1 = jnp.zeros((E, MID), dtype=jnp.float32)
    W2 = jax.random.normal(ks[3], (E, MID, OUT), dtype=jnp.float32) * 0.02
    b2 = jnp.zeros((E, OUT), dtype=jnp.float32)
    return {"hidden_states": hidden_states, "Wg": Wg, "W1": W1, "b1": b1, "W2": W2, "b2": b2}


def _gate(x, Wg, C):
    # BASE/top-1 gate with capacity: returns l_aux, combine_weights (S,E,C), dispatch_mask (S,E,C)
    S = x.shape[0]
    E_ = Wg.shape[1]
    logits = x @ Wg
    probs = jax.nn.softmax(logits, axis=-1)
    expert_idx = jnp.argmax(probs, axis=-1)                       # (S,)
    onehot = jax.nn.one_hot(expert_idx, E_, dtype=jnp.float32)    # (S,E)
    # position of each token inside its expert's buffer (0-indexed)
    pos = jnp.cumsum(onehot, axis=0) * onehot - onehot
    pos_idx = jnp.sum(pos, axis=-1).astype(jnp.int32)             # (S,)
    keep = (pos_idx < C).astype(jnp.float32)                      # capacity drop mask
    pos_onehot = jax.nn.one_hot(pos_idx, C, dtype=jnp.float32)    # (S,C) (zeros if >=C)
    dispatch = onehot[:, :, None] * pos_onehot[:, None, :] * keep[:, None, None]  # (S,E,C)
    gate_prob = jnp.take_along_axis(probs, expert_idx[:, None], axis=-1)[:, 0]
    combine = dispatch * gate_prob[:, None, None]
    me = jnp.mean(probs, axis=0)
    ce = jnp.mean(onehot, axis=0)
    l_aux = E_ * jnp.sum(me * ce)
    return l_aux, combine, dispatch


def reference(hidden_states, Wg, W1, b1, W2, b2):
    b, t, m = hidden_states.shape
    features = hidden_states.reshape(-1, m)                       # (S,M)
    S = features.shape[0]
    E_ = Wg.shape[1]
    C = CAP_FACTOR * S // E_
    l_aux, combine_weights, dispatch_mask = _gate(features, Wg, C)
    # dispatch_mask.permute(1,2,0) -> (E,C,S); mm with features -> (E*C, M)
    dm = jnp.transpose(dispatch_mask, (1, 2, 0)).reshape(E_ * C, S)
    dispatched = (dm @ features).reshape(E_, C, m)
    # expert FFN (BaseSublayer: Linear(in,mid) -> ReLU -> Linear(mid,out)), per-expert
    h = jax.nn.relu(jnp.einsum('ecm,emh->ech', dispatched, W1) + b1[:, None, :])
    expert_output = jnp.einsum('ech,eho->eco', h, W2) + b2[:, None, :]
    # combine: (S, E*C) mm (E*C, out)
    combined = combine_weights.reshape(S, E_ * C) @ expert_output.reshape(E_ * C, -1)
    return (combined.reshape(b, t, -1), l_aux)

if __name__ == "__main__":
    import jax
    _d = setup_inputs()
    print(jax.jit(kernel)(*tuple(_d.values())))

</pallas_src>

<mosaic_0001>
#map = affine_map<(d0, d1) -> (0)>
#map1 = affine_map<(d0, d1) -> (0, 0)>
module attributes {stable_mosaic.version = 14 : i64} {
  func.func @_combine_body(%arg0: i32, %arg1: i32, %arg2: memref<2048xi32, #tpu.memory_space<hbm>>, %arg3: memref<4608x768xf32, #tpu.memory_space<hbm>>, %arg4: memref<2048x768xf32, #tpu.memory_space<hbm>>, %arg5: memref<64xi32, #tpu.memory_space<vmem>>, %arg6: memref<64x768xf32, #tpu.memory_space<vmem>>, %arg7: memref<!tpu.dma_semaphore, #tpu.memory_space<semaphore_mem>>) attributes {dimension_semantics = [#tpu.dimension_semantics<core_parallel>, #tpu.dimension_semantics<subcore_parallel>], iteration_bounds = array<i64: 2, 16>, scalar_prefetch = 0 : i64, scratch_operands = 3 : i64, tpu.core_type = #tpu.core_type<sc_vector_subcore>, window_params = [{transform_indices = #map}, {transform_indices = #map1}, {transform_indices = #map1}]} {
    %mul3A = arith.constant 2 : i32
    %mul3A_0 = arith.muli %arg1, %mul3A : i32
    %add3A = arith.addi %mul3A_0, %arg0 : i32
    %mul3A_1 = arith.constant 64 : i32
    %mul3A_2 = arith.muli %add3A, %mul3A_1 : i32
    "tpu.region"() ({
      %run_scoped3A = tpu.sem_alloc : memref<!tpu.dma_semaphore, #tpu.memory_space<semaphore_mem>>
      %dma_start3A_7 = tpu.memref_slice %arg2[%mul3A_2] : memref<2048xi32, #tpu.memory_space<hbm>> -> memref<64xi32, #tpu.memory_space<hbm>>
      %dma_start3A_8 = tpu.memref_slice %arg2[%mul3A_2] : memref<2048xi32, #tpu.memory_space<hbm>> -> memref<64xi32, #tpu.memory_space<hbm>>
      tpu.enqueue_dma source(%dma_start3A_8 : memref<64xi32, #tpu.memory_space<hbm>>) target(%arg5 : memref<64xi32, #tpu.memory_space<vmem>>) target_semaphore(%run_scoped3A : memref<!tpu.dma_semaphore, #tpu.memory_space<semaphore_mem>>)
      %dma_wait3A_9 = tpu.memref_slice %arg2[%mul3A_2] : memref<2048xi32, #tpu.memory_space<hbm>> -> memref<64xi32, #tpu.memory_space<hbm>>
      %dma_wait3A_10 = tpu.memref_slice %arg2[%mul3A_2] : memref<2048xi32, #tpu.memory_space<hbm>> -> memref<64xi32, #tpu.memory_space<hbm>>
      tpu.wait_dma2 semaphore(%run_scoped3A : memref<!tpu.dma_semaphore, #tpu.memory_space<semaphore_mem>>) src(%dma_wait3A_10 : memref<64xi32, #tpu.memory_space<hbm>>) dst(%arg5 : memref<64xi32, #tpu.memory_space<vmem>>)
      tpu.yield
    }) : () -> ()
    %dma_start3A = arith.constant 0 : i32
    %dma_start3A_3 = arith.constant 0 : i32
    %dma_start3A_4 = tpu.memref_slice %arg3[%dma_start3A, %dma_start3A_3] : memref<4608x768xf32, #tpu.memory_space<hbm>> -> memref<4608x768xf32, #tpu.memory_space<hbm>>
    tpu.enqueue_indirect_dma source(%dma_start3A_4 : memref<4608x768xf32, #tpu.memory_space<hbm>>) target(%arg6 : memref<64x768xf32, #tpu.memory_space<vmem>>) offsets(%arg5 : memref<64xi32, #tpu.memory_space<vmem>>) semaphore(%arg7 : memref<!tpu.dma_semaphore, #tpu.memory_space<semaphore_mem>>)
    %dma_wait3A = arith.constant 0 : i32
    %dma_wait3A_5 = arith.constant 0 : i32
    %dma_wait3A_6 = tpu.memref_slice %arg3[%dma_wait3A, %dma_wait3A_5] : memref<4608x768xf32, #tpu.memory_space<hbm>> -> memref<4608x768xf32, #tpu.memory_space<hbm>>
    tpu.wait_indirect_dma semaphore(%arg7 : memref<!tpu.dma_semaphore, #tpu.memory_space<semaphore_mem>>) src(%dma_wait3A_6 : memref<4608x768xf32, #tpu.memory_space<hbm>>) dst(%arg6 : memref<64x768xf32, #tpu.memory_space<vmem>>)
    "tpu.region"() ({
      %run_scoped3A = tpu.sem_alloc : memref<!tpu.dma_semaphore, #tpu.memory_space<semaphore_mem>>
      %dma_start3A_7 = arith.constant 0 : i32
      %dma_start3A_8 = tpu.memref_slice %arg4[%mul3A_2, %dma_start3A_7] : memref<2048x768xf32, #tpu.memory_space<hbm>> -> memref<64x768xf32, #tpu.memory_space<hbm>>
      %dma_start3A_9 = arith.constant 0 : i32
      %dma_start3A_10 = tpu.memref_slice %arg4[%mul3A_2, %dma_start3A_9] : memref<2048x768xf32, #tpu.memory_space<hbm>> -> memref<64x768xf32, #tpu.memory_space<hbm>>
      tpu.enqueue_dma source(%arg6 : memref<64x768xf32, #tpu.memory_space<vmem>>) target(%dma_start3A_10 : memref<64x768xf32, #tpu.memory_space<hbm>>) target_semaphore(%run_scoped3A : memref<!tpu.dma_semaphore, #tpu.memory_space<semaphore_mem>>)
      %dma_wait3A_11 = arith.constant 0 : i32
      %dma_wait3A_12 = tpu.memref_slice %arg4[%mul3A_2, %dma_wait3A_11] : memref<2048x768xf32, #tpu.memory_space<hbm>> -> memref<64x768xf32, #tpu.memory_space<hbm>>
      %dma_wait3A_13 = arith.constant 0 : i32
      %dma_wait3A_14 = tpu.memref_slice %arg4[%mul3A_2, %dma_wait3A_13] : memref<2048x768xf32, #tpu.memory_space<hbm>> -> memref<64x768xf32, #tpu.memory_space<hbm>>
      tpu.wait_dma2 semaphore(%run_scoped3A : memref<!tpu.dma_semaphore, #tpu.memory_space<semaphore_mem>>) src(%arg6 : memref<64x768xf32, #tpu.memory_space<vmem>>) dst(%dma_wait3A_14 : memref<64x768xf32, #tpu.memory_space<hbm>>)
      tpu.yield
    }) : () -> ()
    return
  }
}

#map = affine_map<(d0, d1) -> (0)>
#map1 = affine_map<(d0, d1) -> (0, 0)>
module attributes {stable_mosaic.version = 14 : i64} {
  func.func @_dispatch_body(%arg0: i32, %arg1: i32, %arg2: memref<2048xi32, #tpu.memory_space<hbm>>, %arg3: memref<2048xf32, #tpu.memory_space<hbm>>, %arg4: memref<2048x768xf32, #tpu.memory_space<hbm>>, %arg5: memref<4096x768xf32, #tpu.memory_space<hbm>>, %arg6: memref<4096xf32, #tpu.memory_space<hbm>>, %arg7: memref<2048xi32, #tpu.memory_space<vmem>>, %arg8: memref<2048xf32, #tpu.memory_space<vmem>>, %arg9: memref<128xi32, #tpu.memory_space<vmem>>, %arg10: memref<128xf32, #tpu.memory_space<vmem>>, %arg11: memref<128x768xf32, #tpu.memory_space<vmem>>, %arg12: memref<!tpu.dma_semaphore, #tpu.memory_space<semaphore_mem>>) attributes {dimension_semantics = [#tpu.dimension_semantics<core_parallel>, #tpu.dimension_semantics<subcore_parallel>], iteration_bounds = array<i64: 2, 16>, scalar_prefetch = 0 : i64, scratch_operands = 6 : i64, tpu.core_type = #tpu.core_type<sc_vector_subcore>, window_params = [{transform_indices = #map}, {transform_indices = #map}, {transform_indices = #map1}, {transform_indices = #map1}, {transform_indices = #map}]} {
    %mul3A = arith.constant 2 : i32
    %mul3A_0 = arith.muli %arg1, %mul3A : i32
    %add3A = arith.addi %mul3A_0, %arg0 : i32
    %mul3A_1 = arith.constant 128 : i32
    %mul3A_2 = arith.muli %add3A, %mul3A_1 : i32
    "tpu.region"() ({
      %run_scoped3A = tpu.sem_alloc : memref<!tpu.dma_semaphore, #tpu.memory_space<semaphore_mem>>
      tpu.enqueue_dma source(%arg2 : memref<2048xi32, #tpu.memory_space<hbm>>) target(%arg7 : memref<2048xi32, #tpu.memory_space<vmem>>) target_semaphore(%run_scoped3A : memref<!tpu.dma_semaphore, #tpu.memory_space<semaphore_mem>>)
      tpu.wait_dma2 semaphore(%run_scoped3A : memref<!tpu.dma_semaphore, #tpu.memory_space<semaphore_mem>>) src(%arg2 : memref<2048xi32, #tpu.memory_space<hbm>>) dst(%arg7 : memref<2048xi32, #tpu.memory_space<vmem>>)
      tpu.yield
    }) : () -> ()
    "tpu.region"() ({
      %run_scoped3A = tpu.sem_alloc : memref<!tpu.dma_semaphore, #tpu.memory_space<semaphore_mem>>
      tpu.enqueue_dma source(%arg3 : memref<2048xf32, #tpu.memory_space<hbm>>) target(%arg8 : memref<2048xf32, #tpu.memory_space<vmem>>) target_semaphore(%run_scoped3A : memref<!tpu.dma_semaphore, #tpu.memory_space<semaphore_mem>>)
      tpu.wait_dma2 semaphore(%run_scoped3A : memref<!tpu.dma_semaphore, #tpu.memory_space<semaphore_mem>>) src(%arg3 : memref<2048xf32, #tpu.memory_space<hbm>>) dst(%arg8 : memref<2048xf32, #tpu.memory_space<vmem>>)
      tpu.yield
    }) : () -> ()
    %iota3A = tpu.iota {dimensions = array<i32: 0>} : vector<16xi32>
    %add3A_3 = arith.constant 0 : i32
    %add3A_4 = arith.addi %mul3A_2, %add3A_3 : i32
    %add3A_5 = vector.broadcast %add3A_4 : i32 to vector<16xi32>
    %add3A_6 = arith.addi %iota3A, %add3A_5 : vector<16xi32>
    %and3A = arith.constant 2047 : i32
    %and3A_7 = vector.broadcast %and3A : i32 to vector<16xi32>
    %and3A_8 = arith.andi %add3A_6, %and3A_7 : vector<16xi32>
    %swap3A = arith.constant 0 : index
    %swap3A_9 = tpu.vector_load %arg9[%swap3A] {strides = array<i32>} : memref<128xi32, #tpu.memory_space<vmem>>, vector<16xi32>,
    tpu.vector_store %arg9[%swap3A], %and3A_8 {strides = array<i32>} : memref<128xi32, #tpu.memory_space<vmem>>, vector<16xi32>,
    %iota3A_10 = tpu.iota {dimensions = array<i32: 0>} : vector<16xi32>
    %add3A_11 = arith.constant 16 : i32
    %add3A_12 = arith.addi %mul3A_2, %add3A_11 : i32
    %add3A_13 = vector.broadcast %add3A_12 : i32 to vector<16xi32>
    %add3A_14 = arith.addi %iota3A_10, %add3A_13 : vector<16xi32>
    %and3A_15 = arith.constant 2047 : i32
    %and3A_16 = vector.broadcast %and3A_15 : i32 to vector<16xi32>
    %and3A_17 = arith.andi %add3A_14, %and3A_16 : vector<16xi32>
    %swap3A_18 = arith.constant 16 : index
    %swap3A_19 = tpu.vector_load %arg9[%swap3A_18] {strides = array<i32>} : memref<128xi32, #tpu.memory_space<vmem>>, vector<16xi32>,
    tpu.vector_store %arg9[%swap3A_18], %and3A_17 {strides = array<i32>} : memref<128xi32, #tpu.memory_space<vmem>>, vector<16xi32>,
    %iota3A_20 = tpu.iota {dimensions = array<i32: 0>} : vector<16xi32>
    %add3A_21 = arith.constant 32 : i32
    %add3A_22 = arith.addi %mul3A_2, %add3A_21 : i32
    %add3A_23 = vector.broadcast %add3A_22 : i32 to vector<16xi32>
    %add3A_24 = arith.addi %iota3A_20, %add3A_23 : vector<16xi32>
    %and3A_25 = arith.constant 2047 : i32
    %and3A_26 = vector.broadcast %and3A_25 : i32 to vector<16xi32>
    %and3A_27 = arith.andi %add3A_24, %and3A_26 : vector<16xi32>
    %swap3A_28 = arith.constant 32 : index
    %swap3A_29 = tpu.vector_load %arg9[%swap3A_28] {strides = array<i32>} : memref<128xi32, #tpu.memory_space<vmem>>, vector<16xi32>,
    tpu.vector_store %arg9[%swap3A_28], %and3A_27 {strides = array<i32>} : memref<128xi32, #tpu.memory_space<vmem>>, vector<16xi32>,
    %iota3A_30 = tpu.iota {dimensions = array<i32: 0>} : vector<16xi32>
    %add3A_31 = arith.constant 48 : i32
    %add3A_32 = arith.addi %mul3A_2, %add3A_31 : i32
    %add3A_33 = vector.broadcast %add3A_32 : i32 to vector<16xi32>
    %add3A_34 = arith.addi %iota3A_30, %add3A_33 : vector<16xi32>
    %and3A_35 = arith.constant 2047 : i32
    %and3A_36 = vector.broadcast %and3A_35 : i32 to vector<16xi32>
    %and3A_37 = arith.andi %add3A_34, %and3A_36 : vector<16xi32>
    %swap3A_38 = arith.constant 48 : index
    %swap3A_39 = tpu.vector_load %arg9[%swap3A_38] {strides = array<i32>} : memref<128xi32, #tpu.memory_space<vmem>>, vector<16xi32>,
    tpu.vector_store %arg9[%swap3A_38], %and3A_37 {strides = array<i32>} : memref<128xi32, #tpu.memory_space<vmem>>, vector<16xi32>,
    %iota3A_40 = tpu.iota {dimensions = array<i32: 0>} : vector<16xi32>
    %add3A_41 = arith.constant 64 : i32
    %add3A_42 = arith.addi %mul3A_2, %add3A_41 : i32
    %add3A_43 = vector.broadcast %add3A_42 : i32 to vector<16xi32>
    %add3A_44 = arith.addi %iota3A_40, %add3A_43 : vector<16xi32>
    %and3A_45 = arith.constant 2047 : i32
    %and3A_46 = vector.broadcast %and3A_45 : i32 to vector<16xi32>
    %and3A_47 = arith.andi %add3A_44, %and3A_46 : vector<16xi32>
    %swap3A_48 = arith.constant 64 : index
    %swap3A_49 = tpu.vector_load %arg9[%swap3A_48] {strides = array<i32>} : memref<128xi32, #tpu.memory_space<vmem>>, vector<16xi32>,
    tpu.vector_store %arg9[%swap3A_48], %and3A_47 {strides = array<i32>} : memref<128xi32, #tpu.memory_space<vmem>>, vector<16xi32>,
    %iota3A_50 = tpu.iota {dimensions = array<i32: 0>} : vector<16xi32>
    %add3A_51 = arith.constant 80 : i32
    %add3A_52 = arith.addi %mul3A_2, %add3A_51 : i32
    %add3A_53 = vector.broadcast %add3A_52 : i32 to vector<16xi32>
    %add3A_54 = arith.addi %iota3A_50, %add3A_53 : vector<16xi32>
    %and3A_55 = arith.constant 2047 : i32
    %and3A_56 = vector.broadcast %and3A_55 : i32 to vector<16xi32>
    %and3A_57 = arith.andi %add3A_54, %and3A_56 : vector<16xi32>
    %swap3A_58 = arith.constant 80 : index
    %swap3A_59 = tpu.vector_load %arg9[%swap3A_58] {strides = array<i32>} : memref<128xi32, #tpu.memory_space<vmem>>, vector<16xi32>,
    tpu.vector_store %arg9[%swap3A_58], %and3A_57 {strides = array<i32>} : memref<128xi32, #tpu.memory_space<vmem>>, vector<16xi32>,
    %iota3A_60 = tpu.iota {dimensions = array<i32: 0>} : vector<16xi32>
    %add3A_61 = arith.constant 96 : i32
    %add3A_62 = arith.addi %mul3A_2, %add3A_61 : i32
    %add3A_63 = vector.broadcast %add3A_62 : i32 to vector<16xi32>
    %add3A_64 = arith.addi %iota3A_60, %add3A_63 : vector<16xi32>
    %and3A_65 = arith.constant 2047 : i32
    %and3A_66 = vector.broadcast %and3A_65 : i32 to vector<16xi32>
    %and3A_67 = arith.andi %add3A_64, %and3A_66 : vector<16xi32>
    %swap3A_68 = arith.constant 96 : index
    %swap3A_69 = tpu.vector_load %arg9[%swap3A_68] {strides = array<i32>} : memref<128xi32, #tpu.memory_space<vmem>>, vector<16xi32>,
    tpu.vector_store %arg9[%swap3A_68], %and3A_67 {strides = array<i32>} : memref<128xi32, #tpu.memory_space<vmem>>, vector<16xi32>,
    %iota3A_70 = tpu.iota {dimensions = array<i32: 0>} : vector<16xi32>
    %add3A_71 = arith.constant 112 : i32
    %add3A_72 = arith.addi %mul3A_2, %add3A_71 : i32
    %add3A_73 = vector.broadcast %add3A_72 : i32 to vector<16xi32>
    %add3A_74 = arith.addi %iota3A_70, %add3A_73 : vector<16xi32>
    %and3A_75 = arith.constant 2047 : i32
    %and3A_76 = vector.broadcast %and3A_75 : i32 to vector<16xi32>
    %and3A_77 = arith.andi %add3A_74, %and3A_76 : vector<16xi32>
    %swap3A_78 = arith.constant 112 : index
    %swap3A_79 = tpu.vector_load %arg9[%swap3A_78] {strides = array<i32>} : memref<128xi32, #tpu.memory_space<vmem>>, vector<16xi32>,
    tpu.vector_store %arg9[%swap3A_78], %and3A_77 {strides = array<i32>} : memref<128xi32, #tpu.memory_space<vmem>>, vector<16xi32>,
    %scan3A = arith.constant 0 : i32
    %scan3A_80 = arith.constant 0 : i32
    %scan3A_81 = arith.constant 128 : i32
    %scan3A_82 = arith.addi %scan3A_80, %scan3A_81 : i32
    %scan3A_83 = arith.constant 1 : i32
    %scan3A_84 = scf.for %scan3A_128 = %scan3A_80 to %scan3A_82 step %scan3A_83 iter_args(%scan3A_129 = %scan3A) -> (i32)  : i32 {
      %mul3A_130 = arith.constant 16 : i32
      %mul3A_131 = arith.muli %scan3A_128, %mul3A_130 : i32
      %get3A_132 = arith.index_cast %mul3A_131 : i32 to index
      %get3A_133 = tpu.vector_load %arg7[%get3A_132] {strides = array<i32>} : memref<2048xi32, #tpu.memory_space<vmem>>, vector<16xi32>,
      %sub3A = vector.broadcast %mul3A_2 : i32 to vector<16xi32>
      %sub3A_134 = arith.subi %get3A_133, %sub3A : vector<16xi32>
      %ge3A = arith.constant 0 : i32
      %ge3A_135 = vector.broadcast %ge3A : i32 to vector<16xi32>
      %ge3A_136 = arith.cmpi sge, %sub3A_134, %ge3A_135 : vector<16xi32>
      %lt3A = arith.constant 128 : i32
      %lt3A_137 = vector.broadcast %lt3A : i32 to vector<16xi32>
      %lt3A_138 = arith.cmpi slt, %sub3A_134, %lt3A_137 : vector<16xi32>
      %and3A_139 = arith.andi %ge3A_136, %lt3A_138 : vector<16xi1>
      %iota3A_140 = tpu.iota {dimensions = array<i32: 0>} : vector<16xi32>
      %mul3A_141 = arith.constant 16 : i32
      %mul3A_142 = arith.muli %scan3A_128, %mul3A_141 : i32
      %add3A_143 = vector.broadcast %mul3A_142 : i32 to vector<16xi32>
      %add3A_144 = arith.addi %iota3A_140, %add3A_143 : vector<16xi32>
      tpu.vector_store_idx %arg9[%sub3A_134], %add3A_144 masked %and3A_139 : memref<128xi32, #tpu.memory_space<vmem>>[vector<16xi32>], vector<16xi32>, vector<16xi1>
      %scan3A_145 = arith.constant 0 : i32
      scf.yield %scan3A_145 : i32
    }
    %scan3A_85 = arith.constant 128 : i32
    %get3A = arith.constant 0 : index
    %get3A_86 = tpu.vector_load %arg9[%get3A] {strides = array<i32>} : memref<128xi32, #tpu.memory_space<vmem>>, vector<16xi32>,
    %gather3A = tpu.vector_load_idx %arg8[%get3A_86] : memref<2048xf32, #tpu.memory_space<vmem>>[vector<16xi32>], vector<16xf32>,
    %swap3A_87 = arith.constant 0 : index
    %swap3A_88 = tpu.vector_load %arg10[%swap3A_87] {strides = array<i32>} : memref<128xf32, #tpu.memory_space<vmem>>, vector<16xf32>,
    tpu.vector_store %arg10[%swap3A_87], %gather3A {strides = array<i32>} : memref<128xf32, #tpu.memory_space<vmem>>, vector<16xf32>,
    %get3A_89 = arith.constant 16 : index
    %get3A_90 = tpu.vector_load %arg9[%get3A_89] {strides = array<i32>} : memref<128xi32, #tpu.memory_space<vmem>>, vector<16xi32>,
    %gather3A_91 = tpu.vector_load_idx %arg8[%get3A_90] : memref<2048xf32, #tpu.memory_space<vmem>>[vector<16xi32>], vector<16xf32>,
    %swap3A_92 = arith.constant 16 : index
    %swap3A_93 = tpu.vector_load %arg10[%swap3A_92] {strides = array<i32>} : memref<128xf32, #tpu.memory_space<vmem>>, vector<16xf32>,
    tpu.vector_store %arg10[%swap3A_92], %gather3A_91 {strides = array<i32>} : memref<128xf32, #tpu.memory_space<vmem>>, vector<16xf32>,
    %get3A_94 = arith.constant 32 : index
    %get3A_95 = tpu.vector_load %arg9[%get3A_94] {strides = array<i32>} : memref<128xi32, #tpu.memory_space<vmem>>, vector<16xi32>,
    %gather3A_96 = tpu.vector_load_idx %arg8[%get3A_95] : memref<2048xf32, #tpu.memory_space<vmem>>[vector<16xi32>], vector<16xf32>,
    %swap3A_97 = arith.constant 32 : index
    %swap3A_98 = tpu.vector_load %arg10[%swap3A_97] {strides = array<i32>} : memref<128xf32, #tpu.memory_space<vmem>>, vector<16xf32>,
    tpu.vector_store %arg10[%swap3A_97], %gather3A_96 {strides = array<i32>} : memref<128xf32, #tpu.memory_space<vmem>>, vector<16xf32>,
    %get3A_99 = arith.constant 48 : index
    %get3A_100 = tpu.vector_load %arg9[%get3A_99] {strides = array<i32>} : memref<128xi32, #tpu.memory_space<vmem>>, vector<16xi32>,
    %gather3A_101 = tpu.vector_load_idx %arg8[%get3A_100] : memref<2048xf32, #tpu.memory_space<vmem>>[vector<16xi32>], vector<16xf32>,
    %swap3A_102 = arith.constant 48 : index
    %swap3A_103 = tpu.vector_load %arg10[%swap3A_102] {strides = array<i32>} : memref<128xf32, #tpu.memory_space<vmem>>, vector<16xf32>,
    tpu.vector_store %arg10[%swap3A_102], %gather3A_101 {strides = array<i32>} : memref<128xf32, #tpu.memory_space<vmem>>, vector<16xf32>,
    %get3A_104 = arith.constant 64 : index
    %get3A_105 = tpu.vector_load %arg9[%get3A_104] {strides = array<i32>} : memref<128xi32, #tpu.memory_space<vmem>>, vector<16xi32>,
    %gather3A_106 = tpu.vector_load_idx %arg8[%get3A_105] : memref<2048xf32, #tpu.memory_space<vmem>>[vector<16xi32>], vector<16xf32>,
    %swap3A_107 = arith.constant 64 : index
    %swap3A_108 = tpu.vector_load %arg10[%swap3A_107] {strides = array<i32>} : memref<128xf32, #tpu.memory_space<vmem>>, vector<16xf32>,
    tpu.vector_store %arg10[%swap3A_107], %gather3A_106 {strides = array<i32>} : memref<128xf32, #tpu.memory_space<vmem>>, vector<16xf32>,
    %get3A_109 = arith.constant 80 : index
    %get3A_110 = tpu.vector_load %arg9[%get3A_109] {strides = array<i32>} : memref<128xi32, #tpu.memory_space<vmem>>, vector<16xi32>,
    %gather3A_111 = tpu.vector_load_idx %arg8[%get3A_110] : memref<2048xf32, #tpu.memory_space<vmem>>[vector<16xi32>], vector<16xf32>,
    %swap3A_112 = arith.constant 80 : index
    %swap3A_113 = tpu.vector_load %arg10[%swap3A_112] {strides = array<i32>} : memref<128xf32, #tpu.memory_space<vmem>>, vector<16xf32>,
    tpu.vector_store %arg10[%swap3A_112], %gather3A_111 {strides = array<i32>} : memref<128xf32, #tpu.memory_space<vmem>>, vector<16xf32>,
    %get3A_114 = arith.constant 96 : index
    %get3A_115 = tpu.vector_load %arg9[%get3A_114] {strides = array<i32>} : memref<128xi32, #tpu.memory_space<vmem>>, vector<16xi32>,
    %gather3A_116 = tpu.vector_load_idx %arg8[%get3A_115] : memref<2048xf32, #tpu.memory_space<vmem>>[vector<16xi32>], vector<16xf32>,
    %swap3A_117 = arith.constant 96 : index
    %swap3A_118 = tpu.vector_load %arg10[%swap3A_117] {strides = array<i32>} : memref<128xf32, #tpu.memory_space<vmem>>, vector<16xf32>,
    tpu.vector_store %arg10[%swap3A_117], %gather3A_116 {strides = array<i32>} : memref<128xf32, #tpu.memory_space<vmem>>, vector<16xf32>,
    %get3A_119 = arith.constant 112 : index
    %get3A_120 = tpu.vector_load %arg9[%get3A_119] {strides = array<i32>} : memref<128xi32, #tpu.memory_space<vmem>>, vector<16xi32>,
    %gather3A_121 = tpu.vector_load_idx %arg8[%get3A_120] : memref<2048xf32, #tpu.memory_space<vmem>>[vector<16xi32>], vector<16xf32>,
    %swap3A_122 = arith.constant 112 : index
    %swap3A_123 = tpu.vector_load %arg10[%swap3A_122] {strides = array<i32>} : memref<128xf32, #tpu.memory_space<vmem>>, vector<16xf32>,
    tpu.vector_store %arg10[%swap3A_122], %gather3A_121 {strides = array<i32>} : memref<128xf32, #tpu.memory_space<vmem>>, vector<16xf32>,
    "tpu.region"() ({
      %run_scoped3A = tpu.sem_alloc : memref<!tpu.dma_semaphore, #tpu.memory_space<semaphore_mem>>
      %dma_start3A_128 = tpu.memref_slice %arg6[%mul3A_2] : memref<4096xf32, #tpu.memory_space<hbm>> -> memref<128xf32, #tpu.memory_space<hbm>>
      %dma_start3A_129 = tpu.memref_slice %arg6[%mul3A_2] : memref<4096xf32, #tpu.memory_space<hbm>> -> memref<128xf32, #tpu.memory_space<hbm>>
      tpu.enqueue_dma source(%arg10 : memref<128xf32, #tpu.memory_space<vmem>>) target(%dma_start3A_129 : memref<128xf32, #tpu.memory_space<hbm>>) target_semaphore(%run_scoped3A : memref<!tpu.dma_semaphore, #tpu.memory_space<semaphore_mem>>)
      %dma_wait3A_130 = tpu.memref_slice %arg6[%mul3A_2] : memref<4096xf32, #tpu.memory_space<hbm>> -> memref<128xf32, #tpu.memory_space<hbm>>
      %dma_wait3A_131 = tpu.memref_slice %arg6[%mul3A_2] : memref<4096xf32, #tpu.memory_space<hbm>> -> memref<128xf32, #tpu.memory_space<hbm>>
      tpu.wait_dma2 semaphore(%run_scoped3A : memref<!tpu.dma_semaphore, #tpu.memory_space<semaphore_mem>>) src(%arg10 : memref<128xf32, #tpu.memory_space<vmem>>) dst(%dma_wait3A_131 : memref<128xf32, #tpu.memory_space<hbm>>)
      tpu.yield
    }) : () -> ()
    %dma_start3A = arith.constant 0 : i32
    %dma_start3A_124 = arith.constant 0 : i32
    %dma_start3A_125 = tpu.memref_slice %arg4[%dma_start3A, %dma_start3A_124] : memref<2048x768xf32, #tpu.memory_space<hbm>> -> memref<2048x768xf32, #tpu.memory_space<hbm>>
    tpu.enqueue_indirect_dma source(%dma_start3A_125 : memref<2048x768xf32, #tpu.memory_space<hbm>>) target(%arg11 : memref<128x768xf32, #tpu.memory_space<vmem>>) offsets(%arg9 : memref<128xi32, #tpu.memory_space<vmem>>) semaphore(%arg12 : memref<!tpu.dma_semaphore, #tpu.memory_space<semaphore_mem>>)
    %dma_wait3A = arith.constant 0 : i32
    %dma_wait3A_126 = arith.constant 0 : i32
    %dma_wait3A_127 = tpu.memref_slice %arg4[%dma_wait3A, %dma_wait3A_126] : memref<2048x768xf32, #tpu.memory_space<hbm>> -> memref<2048x768xf32, #tpu.memory_space<hbm>>
    tpu.wait_indirect_dma semaphore(%arg12 : memref<!tpu.dma_semaphore, #tpu.memory_space<semaphore_mem>>) src(%dma_wait3A_127 : memref<2048x768xf32, #tpu.memory_space<hbm>>) dst(%arg11 : memref<128x768xf32, #tpu.memory_space<vmem>>)
    "tpu.region"() ({
      %run_scoped3A = tpu.sem_alloc : memref<!tpu.dma_semaphore, #tpu.memory_space<semaphore_mem>>
      %dma_start3A_128 = arith.constant 0 : i32
      %dma_start3A_129 = tpu.memref_slice %arg5[%mul3A_2, %dma_start3A_128] : memref<4096x768xf32, #tpu.memory_space<hbm>> -> memref<128x768xf32, #tpu.memory_space<hbm>>
      %dma_start3A_130 = arith.constant 0 : i32
      %dma_start3A_131 = tpu.memref_slice %arg5[%mul3A_2, %dma_start3A_130] : memref<4096x768xf32, #tpu.memory_space<hbm>> -> memref<128x768xf32, #tpu.memory_space<hbm>>
      tpu.enqueue_dma source(%arg11 : memref<128x768xf32, #tpu.memory_space<vmem>>) target(%dma_start3A_131 : memref<128x768xf32, #tpu.memory_space<hbm>>) target_semaphore(%run_scoped3A : memref<!tpu.dma_semaphore, #tpu.memory_space<semaphore_mem>>)
      %dma_wait3A_132 = arith.constant 0 : i32
      %dma_wait3A_133 = tpu.memref_slice %arg5[%mul3A_2, %dma_wait3A_132] : memref<4096x768xf32, #tpu.memory_space<hbm>> -> memref<128x768xf32, #tpu.memory_space<hbm>>
      %dma_wait3A_134 = arith.constant 0 : i32
      %dma_wait3A_135 = tpu.memref_slice %arg5[%mul3A_2, %dma_wait3A_134] : memref<4096x768xf32, #tpu.memory_space<hbm>> -> memref<128x768xf32, #tpu.memory_space<hbm>>
      tpu.wait_dma2 semaphore(%run_scoped3A : memref<!tpu.dma_semaphore, #tpu.memory_space<semaphore_mem>>) src(%arg11 : memref<128x768xf32, #tpu.memory_space<vmem>>) dst(%dma_wait3A_135 : memref<128x768xf32, #tpu.memory_space<hbm>>)
      tpu.yield
    }) : () -> ()
    return
  }
}

module attributes {stable_mosaic.version = 14 : i64} {
  func.func @_gating_body(%arg0: memref<2048x768xf32, #tpu.memory_space<vmem>>, %arg1: memref<768x128xf32, #tpu.memory_space<vmem>>, %arg2: memref<16x128xi32, #tpu.memory_space<vmem>>, %arg3: memref<16x128xf32, #tpu.memory_space<vmem>>, %arg4: memref<1x1xf32, #tpu.memory_space<vmem>>) attributes {dimension_semantics = [], scalar_prefetch = 0 : i64, scratch_operands = 0 : i64, tpu.core_type = #tpu.core_type<tc>} {
    %get3A = arith.constant 0 : index
    %get3A_0 = arith.constant 0 : index
    %get3A_1 = vector.load %arg0[%get3A, %get3A_0] : memref<2048x768xf32, #tpu.memory_space<vmem>>, vector<2048x768xf32>
    %get3A_2 = arith.constant 0 : index
    %get3A_3 = arith.constant 0 : index
    %get3A_4 = vector.load %arg1[%get3A_2, %get3A_3] : memref<768x128xf32, #tpu.memory_space<vmem>>, vector<768x128xf32>
    %dot_general3A = arith.constant dense<0.000000e+00> : vector<2048x128xf32>
    %dot_general3A_5 = tpu.matmul %get3A_1, %get3A_4, %dot_general3A {dimension_numbers = #tpu.dot_dimension_numbers<[1], [0], [0], [1], [0, 0, 1, 1], [], []>, transpose_lhs_hint = false} : vector<2048x768xf32>, vector<768x128xf32>, vector<2048x128xf32> -> vector<2048x128xf32>
    %iota3A = tpu.iota {dimensions = array<i32: 1>} : vector<2048x128xi32>
    %lt3A = arith.constant 8 : i32
    %lt3A_6 = vector.broadcast %lt3A : i32 to vector<2048x128xi32>
    %lt3A_7 = arith.cmpi slt, %iota3A, %lt3A_6 : vector<2048x128xi32>
    %jit3A = arith.constant -1.000000e+30 : f32
    %broadcast_in_dim3A = vector.broadcast %jit3A : f32 to vector<2048x128xf32>
    %select_n3A = arith.select %lt3A_7, %dot_general3A_5, %broadcast_in_dim3A : vector<2048x128xi1>, vector<2048x128xf32>
    %reduce_max3A = arith.constant dense<0xFF800000> : vector<2048xf32>
    %reduce_max3A_8 = vector.multi_reduction <maximumf>, %select_n3A, %reduce_max3A [1] : vector<2048x128xf32> to vector<2048xf32>
    %broadcast_in_dim3A_9 = vector.shape_cast %reduce_max3A_8 : vector<2048xf32> to vector<2048x1xf32>
    %sub3A = vector.broadcast %broadcast_in_dim3A_9 : vector<2048x1xf32> to vector<2048x128xf32>
    %sub3A_10 = arith.subf %select_n3A, %sub3A : vector<2048x128xf32>
    %exp3A = math.exp %sub3A_10 : vector<2048x128xf32>
    %reduce_sum3A = arith.constant dense<0.000000e+00> : vector<2048xf32>
    %reduce_sum3A_11 = vector.multi_reduction <add>, %exp3A, %reduce_sum3A [1] : vector<2048x128xf32> to vector<2048xf32>
    %broadcast_in_dim3A_12 = vector.shape_cast %reduce_sum3A_11 : vector<2048xf32> to vector<2048x1xf32>
    %div3A = vector.broadcast %broadcast_in_dim3A_12 : vector<2048x1xf32> to vector<2048x128xf32>
    %div3A_13 = arith.divf %exp3A, %div3A : vector<2048x128xf32>
    %reduce_max3A_14 = arith.constant dense<0xFF800000> : vector<2048xf32>
    %reduce_max3A_15 = vector.multi_reduction <maximumf>, %div3A_13, %reduce_max3A_14 [1] : vector<2048x128xf32> to vector<2048xf32>
    %broadcast_in_dim3A_16 = vector.shape_cast %reduce_max3A_15 : vector<2048xf32> to vector<2048x1xf32>
    %eq3A = vector.broadcast %broadcast_in_dim3A_16 : vector<2048x1xf32> to vector<2048x128xf32>
    %eq3A_17 = arith.cmpf oeq, %div3A_13, %eq3A : vector<2048x128xf32>
    %jit3A_18 = arith.constant 128 : i32
    %broadcast_in_dim3A_19 = vector.broadcast %jit3A_18 : i32 to vector<2048x128xi32>
    %select_n3A_20 = arith.select %eq3A_17, %iota3A, %broadcast_in_dim3A_19 : vector<2048x128xi1>, vector<2048x128xi32>
    %reduce_min3A = arith.constant dense<2147483647> : vector<2048xi32>
    %reduce_min3A_21 = vector.multi_reduction <minsi>, %select_n3A_20, %reduce_min3A [1] : vector<2048x128xi32> to vector<2048xi32>
    %broadcast_in_dim3A_22 = vector.shape_cast %reduce_min3A_21 : vector<2048xi32> to vector<2048x1xi32>
    %eq3A_23 = vector.broadcast %broadcast_in_dim3A_22 : vector<2048x1xi32> to vector<2048x128xi32>
    %eq3A_24 = arith.cmpi eq, %iota3A, %eq3A_23 : vector<2048x128xi32>
    %and3A = arith.andi %eq3A_24, %lt3A_7 : vector<2048x128xi1>
    %jit3A_25 = arith.constant 1.000000e+00 : f32
    %jit3A_26 = arith.constant 0.000000e+00 : f32
    %broadcast_in_dim3A_27 = vector.broadcast %jit3A_25 : f32 to vector<2048x128xf32>
    %broadcast_in_dim3A_28 = vector.broadcast %jit3A_26 : f32 to vector<2048x128xf32>
    %select_n3A_29 = arith.select %and3A, %broadcast_in_dim3A_27, %broadcast_in_dim3A_28 : vector<2048x128xi1>, vector<2048x128xf32>
    %broadcast_in_dim3A_30 = arith.constant 0.000000e+00 : f32
    %broadcast_in_dim3A_31 = vector.broadcast %broadcast_in_dim3A_30 : f32 to vector<1x128xf32>
    %slice3A = vector.extract_strided_slice %select_n3A_29 {offsets = [0, 0], sizes = [2047, 128], strides = [1, 1]} : vector<2048x128xf32> to vector<2047x128xf32>
    %concatenate3A = tpu.concatenate %broadcast_in_dim3A_31, %slice3A in 0 : vector<1x128xf32>, vector<2047x128xf32> -> vector<2048x128xf32>
    %add3A = arith.addf %select_n3A_29, %concatenate3A : vector<2048x128xf32>
    %broadcast_in_dim3A_32 = arith.constant 0.000000e+00 : f32
    %broadcast_in_dim3A_33 = vector.broadcast %broadcast_in_dim3A_32 : f32 to vector<2x128xf32>
    %slice3A_34 = vector.extract_strided_slice %add3A {offsets = [0, 0], sizes = [2046, 128], strides = [1, 1]} : vector<2048x128xf32> to vector<2046x128xf32>
    %concatenate3A_35 = tpu.concatenate %broadcast_in_dim3A_33, %slice3A_34 in 0 : vector<2x128xf32>, vector<2046x128xf32> -> vector<2048x128xf32>
    %add3A_36 = arith.addf %add3A, %concatenate3A_35 : vector<2048x128xf32>
    %broadcast_in_dim3A_37 = arith.constant 0.000000e+00 : f32
    %broadcast_in_dim3A_38 = vector.broadcast %broadcast_in_dim3A_37 : f32 to vector<4x128xf32>
    %slice3A_39 = vector.extract_strided_slice %add3A_36 {offsets = [0, 0], sizes = [2044, 128], strides = [1, 1]} : vector<2048x128xf32> to vector<2044x128xf32>
    %concatenate3A_40 = tpu.concatenate %broadcast_in_dim3A_38, %slice3A_39 in 0 : vector<4x128xf32>, vector<2044x128xf32> -> vector<2048x128xf32>
    %add3A_41 = arith.addf %add3A_36, %concatenate3A_40 : vector<2048x128xf32>
    %broadcast_in_dim3A_42 = arith.constant 0.000000e+00 : f32
    %broadcast_in_dim3A_43 = vector.broadcast %broadcast_in_dim3A_42 : f32 to vector<8x128xf32>
    %slice3A_44 = vector.extract_strided_slice %add3A_41 {offsets = [0, 0], sizes = [2040, 128], strides = [1, 1]} : vector<2048x128xf32> to vector<2040x128xf32>
    %concatenate3A_45 = tpu.concatenate %broadcast_in_dim3A_43, %slice3A_44 in 0 : vector<8x128xf32>, vector<2040x128xf32> -> vector<2048x128xf32>
    %add3A_46 = arith.addf %add3A_41, %concatenate3A_45 : vector<2048x128xf32>
    %broadcast_in_dim3A_47 = arith.constant 0.000000e+00 : f32
    %broadcast_in_dim3A_48 = vector.broadcast %broadcast_in_dim3A_47 : f32 to vector<16x128xf32>
    %slice3A_49 = vector.extract_strided_slice %add3A_46 {offsets = [0, 0], sizes = [2032, 128], strides = [1, 1]} : vector<2048x128xf32> to vector<2032x128xf32>
    %concatenate3A_50 = tpu.concatenate %broadcast_in_dim3A_48, %slice3A_49 in 0 : vector<16x128xf32>, vector<2032x128xf32> -> vector<2048x128xf32>
    %add3A_51 = arith.addf %add3A_46, %concatenate3A_50 : vector<2048x128xf32>
    %broadcast_in_dim3A_52 = arith.constant 0.000000e+00 : f32
    %broadcast_in_dim3A_53 = vector.broadcast %broadcast_in_dim3A_52 : f32 to vector<32x128xf32>
    %slice3A_54 = vector.extract_strided_slice %add3A_51 {offsets = [0, 0], sizes = [2016, 128], strides = [1, 1]} : vector<2048x128xf32> to vector<2016x128xf32>
    %concatenate3A_55 = tpu.concatenate %broadcast_in_dim3A_53, %slice3A_54 in 0 : vector<32x128xf32>, vector<2016x128xf32> -> vector<2048x128xf32>
    %add3A_56 = arith.addf %add3A_51, %concatenate3A_55 : vector<2048x128xf32>
    %broadcast_in_dim3A_57 = arith.constant 0.000000e+00 : f32
    %broadcast_in_dim3A_58 = vector.broadcast %broadcast_in_dim3A_57 : f32 to vector<64x128xf32>
    %slice3A_59 = vector.extract_strided_slice %add3A_56 {offsets = [0, 0], sizes = [1984, 128], strides = [1, 1]} : vector<2048x128xf32> to vector<1984x128xf32>
    %concatenate3A_60 = tpu.concatenate %broadcast_in_dim3A_58, %slice3A_59 in 0 : vector<64x128xf32>, vector<1984x128xf32> -> vector<2048x128xf32>
    %add3A_61 = arith.addf %add3A_56, %concatenate3A_60 : vector<2048x128xf32>
    %broadcast_in_dim3A_62 = arith.constant 0.000000e+00 : f32
    %broadcast_in_dim3A_63 = vector.broadcast %broadcast_in_dim3A_62 : f32 to vector<128x128xf32>
    %slice3A_64 = vector.extract_strided_slice %add3A_61 {offsets = [0, 0], sizes = [1920, 128], strides = [1, 1]} : vector<2048x128xf32> to vector<1920x128xf32>
    %concatenate3A_65 = tpu.concatenate %broadcast_in_dim3A_63, %slice3A_64 in 0 : vector<128x128xf32>, vector<1920x128xf32> -> vector<2048x128xf32>
    %add3A_66 = arith.addf %add3A_61, %concatenate3A_65 : vector<2048x128xf32>
    %broadcast_in_dim3A_67 = arith.constant 0.000000e+00 : f32
    %broadcast_in_dim3A_68 = vector.broadcast %broadcast_in_dim3A_67 : f32 to vector<256x128xf32>
    %slice3A_69 = vector.extract_strided_slice %add3A_66 {offsets = [0, 0], sizes = [1792, 128], strides = [1, 1]} : vector<2048x128xf32> to vector<1792x128xf32>
    %concatenate3A_70 = tpu.concatenate %broadcast_in_dim3A_68, %slice3A_69 in 0 : vector<256x128xf32>, vector<1792x128xf32> -> vector<2048x128xf32>
    %add3A_71 = arith.addf %add3A_66, %concatenate3A_70 : vector<2048x128xf32>
    %broadcast_in_dim3A_72 = arith.constant 0.000000e+00 : f32
    %broadcast_in_dim3A_73 = vector.broadcast %broadcast_in_dim3A_72 : f32 to vector<512x128xf32>
    %slice3A_74 = vector.extract_strided_slice %add3A_71 {offsets = [0, 0], sizes = [1536, 128], strides = [1, 1]} : vector<2048x128xf32> to vector<1536x128xf32>
    %concatenate3A_75 = tpu.concatenate %broadcast_in_dim3A_73, %slice3A_74 in 0 : vector<512x128xf32>, vector<1536x128xf32> -> vector<2048x128xf32>
    %add3A_76 = arith.addf %add3A_71, %concatenate3A_75 : vector<2048x128xf32>
    %broadcast_in_dim3A_77 = arith.constant 0.000000e+00 : f32
    %broadcast_in_dim3A_78 = vector.broadcast %broadcast_in_dim3A_77 : f32 to vector<1024x128xf32>
    %slice3A_79 = vector.extract_strided_slice %add3A_76 {offsets = [0, 0], sizes = [1024, 128], strides = [1, 1]} : vector<2048x128xf32> to vector<1024x128xf32>
    %concatenate3A_80 = tpu.concatenate %broadcast_in_dim3A_78, %slice3A_79 in 0 : vector<1024x128xf32>, vector<1024x128xf32> -> vector<2048x128xf32>
    %add3A_81 = arith.addf %add3A_76, %concatenate3A_80 : vector<2048x128xf32>
    %mul3A = arith.mulf %add3A_81, %select_n3A_29 : vector<2048x128xf32>
    %reduce_sum3A_82 = arith.constant dense<0.000000e+00> : vector<2048xf32>
    %reduce_sum3A_83 = vector.multi_reduction <add>, %mul3A, %reduce_sum3A_82 [1] : vector<2048x128xf32> to vector<2048xf32>
    %broadcast_in_dim3A_84 = vector.shape_cast %reduce_sum3A_83 : vector<2048xf32> to vector<2048x1xf32>
    %convert_element_type3A = arith.fptosi %broadcast_in_dim3A_84 : vector<2048x1xf32> to vector<2048x1xi32>
    %sub3A_85 = arith.constant 1 : i32
    %sub3A_86 = vector.broadcast %sub3A_85 : i32 to vector<2048x1xi32>
    %sub3A_87 = arith.subi %convert_element_type3A, %sub3A_86 : vector<2048x1xi32>
    %lt3A_88 = arith.constant 512 : i32
    %lt3A_89 = vector.broadcast %lt3A_88 : i32 to vector<2048x1xi32>
    %lt3A_90 = arith.cmpi slt, %sub3A_87, %lt3A_89 : vector<2048x1xi32>
    %mul3A_91 = arith.constant 512 : i32
    %mul3A_92 = vector.broadcast %mul3A_91 : i32 to vector<2048x1xi32>
    %mul3A_93 = arith.muli %broadcast_in_dim3A_22, %mul3A_92 : vector<2048x1xi32>
    %add3A_94 = arith.addi %mul3A_93, %sub3A_87 : vector<2048x1xi32>
    %jit3A_95 = arith.constant 4096 : i32
    %broadcast_in_dim3A_96 = vector.broadcast %jit3A_95 : i32 to vector<2048x1xi32>
    %select_n3A_97 = arith.select %lt3A_90, %add3A_94, %broadcast_in_dim3A_96 : vector<2048x1xi1>, vector<2048x1xi32>
    %reshape3A = vector.shape_cast %select_n3A_97 : vector<2048x1xi32> to vector<16x128xi32>
    %swap3A = arith.constant 0 : index
    %swap3A_98 = arith.constant 0 : index
    %swap3A_99 = vector.load %arg2[%swap3A, %swap3A_98] : memref<16x128xi32, #tpu.memory_space<vmem>>, vector<16x128xi32>
    tpu.vector_store %arg2[%swap3A, %swap3A_98], %reshape3A {strides = array<i32>} : memref<16x128xi32, #tpu.memory_space<vmem>>, vector<16x128xi32>,
    %mul3A_100 = arith.mulf %div3A_13, %select_n3A_29 : vector<2048x128xf32>
    %reduce_sum3A_101 = arith.constant dense<0.000000e+00> : vector<2048xf32>
    %reduce_sum3A_102 = vector.multi_reduction <add>, %mul3A_100, %reduce_sum3A_101 [1] : vector<2048x128xf32> to vector<2048xf32>
    %broadcast_in_dim3A_103 = vector.shape_cast %reduce_sum3A_102 : vector<2048xf32> to vector<2048x1xf32>
    %reshape3A_104 = vector.shape_cast %broadcast_in_dim3A_103 : vector<2048x1xf32> to vector<16x128xf32>
    %swap3A_105 = arith.constant 0 : index
    %swap3A_106 = arith.constant 0 : index
    %swap3A_107 = vector.load %arg3[%swap3A_105, %swap3A_106] : memref<16x128xf32, #tpu.memory_space<vmem>>, vector<16x128xf32>
    tpu.vector_store %arg3[%swap3A_105, %swap3A_106], %reshape3A_104 {strides = array<i32>} : memref<16x128xf32, #tpu.memory_space<vmem>>, vector<16x128xf32>,
    %reduce_sum3A_108 = arith.constant dense<0.000000e+00> : vector<128xf32>
    %reduce_sum3A_109 = vector.multi_reduction <add>, %select_n3A_29, %reduce_sum3A_108 [0] : vector<2048x128xf32> to vector<128xf32>
    %broadcast_in_dim3A_110 = vector.shape_cast %reduce_sum3A_109 : vector<128xf32> to vector<1x128xf32>
    %reduce_sum3A_111 = arith.constant dense<0.000000e+00> : vector<128xf32>
    %reduce_sum3A_112 = vector.multi_reduction <add>, %div3A_13, %reduce_sum3A_111 [0] : vector<2048x128xf32> to vector<128xf32>
    %broadcast_in_dim3A_113 = vector.shape_cast %reduce_sum3A_112 : vector<128xf32> to vector<1x128xf32>
    %div3A_114 = arith.constant 2.048000e+03 : f32
    %div3A_115 = vector.broadcast %div3A_114 : f32 to vector<1x128xf32>
    %div3A_116 = arith.divf %broadcast_in_dim3A_113, %div3A_115 : vector<1x128xf32>
    %div3A_117 = arith.constant 2.048000e+03 : f32
    %div3A_118 = vector.broadcast %div3A_117 : f32 to vector<1x128xf32>
    %div3A_119 = arith.divf %broadcast_in_dim3A_110, %div3A_118 : vector<1x128xf32>
    %mul3A_120 = arith.mulf %div3A_116, %div3A_119 : vector<1x128xf32>
    %reduce_sum3A_121 = arith.constant dense<0.000000e+00> : vector<1xf32>
    %reduce_sum3A_122 = vector.multi_reduction <add>, %mul3A_120, %reduce_sum3A_121 [1] : vector<1x128xf32> to vector<1xf32>
    %broadcast_in_dim3A_123 = vector.shape_cast %reduce_sum3A_122 : vector<1xf32> to vector<1x1xf32>
    %mul3A_124 = arith.constant 8.000000e+00 : f32
    %mul3A_125 = vector.broadcast %mul3A_124 : f32 to vector<1x1xf32>
    %mul3A_126 = arith.mulf %broadcast_in_dim3A_123, %mul3A_125 : vector<1x1xf32>
    %swap3A_127 = arith.constant 0 : index
    %swap3A_128 = arith.constant 0 : index
    %swap3A_129 = vector.load %arg4[%swap3A_127, %swap3A_128] : memref<1x1xf32, #tpu.memory_space<vmem>>, vector<1x1xf32>
    tpu.vector_store %arg4[%swap3A_127, %swap3A_128], %mul3A_126 {strides = array<i32>} : memref<1x1xf32, #tpu.memory_space<vmem>>, vector<1x1xf32>,
    return
  }
}

module attributes {stable_mosaic.version = 14 : i64} {
  func.func @_ffn_body(%arg0: i32, %arg1: i32, %arg2: memref<512x768xf32, #tpu.memory_space<vmem>>, %arg3: memref<1x768x512xf32, #tpu.memory_space<vmem>>, %arg4: memref<1x1x1x512xf32, #tpu.memory_space<vmem>>, %arg5: memref<1x512x768xf32, #tpu.memory_space<vmem>>, %arg6: memref<1x1x768xf32, #tpu.memory_space<vmem>>, %arg7: memref<512x1xf32, #tpu.memory_space<vmem>>, %arg8: memref<512x768xf32, #tpu.memory_space<vmem>>, %arg9: memref<512x768xf32, #tpu.memory_space<vmem>>) attributes {dimension_semantics = [#tpu.dimension_semantics<arbitrary>, #tpu.dimension_semantics<arbitrary>], iteration_bounds = array<i64: 9, 6>, scalar_prefetch = 0 : i64, scratch_operands = 1 : i64, tpu.core_type = #tpu.core_type<tc>, window_params = [{transform_indices = @transform_0, window_bounds = array<i64: 512, 768>}, {transform_indices = @transform_1, window_bounds = array<i64: 1, 768, 512>}, {transform_indices = @transform_2, window_bounds = array<i64: 1, 1, 1, 512>}, {transform_indices = @transform_3, window_bounds = array<i64: 1, 512, 768>}, {transform_indices = @transform_4, window_bounds = array<i64: 1, 1, 768>}, {transform_indices = @transform_5, window_bounds = array<i64: 512, 1>}, {transform_indices = @transform_6, window_bounds = array<i64: 512, 768>}]} {
    %eq3A = arith.constant 0 : i32
    %eq3A_0 = arith.cmpi eq, %arg1, %eq3A : i32
    %convert_element_type3A = arith.extui %eq3A_0 : i1 to i32
    %cond3A = arith.constant 0 : i32
    %cond3A_1 = arith.cmpi ne, %convert_element_type3A, %cond3A : i32
    scf.if %cond3A_1 {
      %broadcast_in_dim3A_41 = arith.constant 0.000000e+00 : f32
      %broadcast_in_dim3A_42 = vector.broadcast %broadcast_in_dim3A_41 : f32 to vector<512x768xf32>
      %swap3A_43 = arith.constant 0 : index
      %swap3A_44 = arith.constant 0 : index
      %swap3A_45 = vector.load %arg9[%swap3A_43, %swap3A_44] : memref<512x768xf32, #tpu.memory_space<vmem>>, vector<512x768xf32>
      tpu.vector_store %arg9[%swap3A_43, %swap3A_44], %broadcast_in_dim3A_42 {strides = array<i32>} : memref<512x768xf32, #tpu.memory_space<vmem>>, vector<512x768xf32>,
    } else {
    }
    %get3A = arith.constant 0 : index
    %get3A_2 = arith.constant 0 : index
    %get3A_3 = vector.load %arg2[%get3A, %get3A_2] : memref<512x768xf32, #tpu.memory_space<vmem>>, vector<512x768xf32>
    %convert_element_type3A_4 = arith.truncf %get3A_3 : vector<512x768xf32> to vector<512x768xbf16>
    %get3A_5 = arith.constant 0 : index
    %get3A_6 = arith.constant 0 : index
    %get3A_7 = arith.constant 0 : index
    %get3A_8 = vector.load %arg3[%get3A_5, %get3A_6, %get3A_7] : memref<1x768x512xf32, #tpu.memory_space<vmem>>, vector<1x768x512xf32>
    %get3A_9 = vector.shape_cast %get3A_8 : vector<1x768x512xf32> to vector<768x512xf32>
    %convert_element_type3A_10 = arith.truncf %get3A_9 : vector<768x512xf32> to vector<768x512xbf16>
    %dot_general3A = arith.constant dense<0.000000e+00> : vector<512x512xf32>
    %dot_general3A_11 = tpu.matmul %convert_element_type3A_4, %convert_element_type3A_10, %dot_general3A {dimension_numbers = #tpu.dot_dimension_numbers<[1], [0], [0], [1], [0, 0, 1, 1], [], []>, transpose_lhs_hint = false} : vector<512x768xbf16>, vector<768x512xbf16>, vector<512x512xf32> -> vector<512x512xf32>
    %get3A_12 = arith.constant 0 : index
    %get3A_13 = arith.constant 0 : index
    %get3A_14 = arith.constant 0 : index
    %get3A_15 = arith.constant 0 : index
    %get3A_16 = vector.load %arg4[%get3A_12, %get3A_13, %get3A_14, %get3A_15] : memref<1x1x1x512xf32, #tpu.memory_space<vmem>>, vector<1x1x1x512xf32>
    %get3A_17 = vector.shape_cast %get3A_16 : vector<1x1x1x512xf32> to vector<512xf32>
    %broadcast_in_dim3A = vector.shape_cast %get3A_17 : vector<512xf32> to vector<1x512xf32>
    %add3A = vector.broadcast %broadcast_in_dim3A : vector<1x512xf32> to vector<512x512xf32>
    %add3A_18 = arith.addf %dot_general3A_11, %add3A : vector<512x512xf32>
    %max3A = arith.constant 0.000000e+00 : f32
    %max3A_19 = vector.broadcast %max3A : f32 to vector<512x512xf32>
    %max3A_20 = arith.maximumf %add3A_18, %max3A_19 : vector<512x512xf32>
    %get3A_21 = arith.constant 0 : index
    %get3A_22 = arith.constant 0 : index
    %get3A_23 = vector.load %arg9[%get3A_21, %get3A_22] : memref<512x768xf32, #tpu.memory_space<vmem>>, vector<512x768xf32>
    %convert_element_type3A_24 = arith.truncf %max3A_20 : vector<512x512xf32> to vector<512x512xbf16>
    %get3A_25 = arith.constant 0 : index
    %get3A_26 = arith.constant 0 : index
    %get3A_27 = arith.constant 0 : index
    %get3A_28 = vector.load %arg5[%get3A_25, %get3A_26, %get3A_27] : memref<1x512x768xf32, #tpu.memory_space<vmem>>, vector<1x512x768xf32>
    %get3A_29 = vector.shape_cast %get3A_28 : vector<1x512x768xf32> to vector<512x768xf32>
    %convert_element_type3A_30 = arith.truncf %get3A_29 : vector<512x768xf32> to vector<512x768xbf16>
    %dot_general3A_31 = arith.constant dense<0.000000e+00> : vector<512x768xf32>
    %dot_general3A_32 = tpu.matmul %convert_element_type3A_24, %convert_element_type3A_30, %dot_general3A_31 {dimension_numbers = #tpu.dot_dimension_numbers<[1], [0], [0], [1], [0, 0, 1, 1], [], []>, transpose_lhs_hint = false} : vector<512x512xbf16>, vector<512x768xbf16>, vector<512x768xf32> -> vector<512x768xf32>
    %add3A_33 = arith.addf %get3A_23, %dot_general3A_32 : vector<512x768xf32>
    %swap3A = arith.constant 0 : index
    %swap3A_34 = arith.constant 0 : index
    %swap3A_35 = vector.load %arg9[%swap3A, %swap3A_34] : memref<512x768xf32, #tpu.memory_space<vmem>>, vector<512x768xf32>
    tpu.vector_store %arg9[%swap3A, %swap3A_34], %add3A_33 {strides = array<i32>} : memref<512x768xf32, #tpu.memory_space<vmem>>, vector<512x768xf32>,
    %eq3A_36 = arith.constant 5 : i32
    %eq3A_37 = arith.cmpi eq, %arg1, %eq3A_36 : i32
    %convert_element_type3A_38 = arith.extui %eq3A_37 : i1 to i32
    %cond3A_39 = arith.constant 0 : i32
    %cond3A_40 = arith.cmpi ne, %convert_element_type3A_38, %cond3A_39 : i32
    scf.if %cond3A_40 {
      %get3A_41 = arith.constant 0 : index
      %get3A_42 = arith.constant 0 : index
      %get3A_43 = vector.load %arg9[%get3A_41, %get3A_42] : memref<512x768xf32, #tpu.memory_space<vmem>>, vector<512x768xf32>
      %get3A_44 = arith.constant 0 : index
      %get3A_45 = arith.constant 0 : index
      %get3A_46 = arith.constant 0 : index
      %get3A_47 = vector.load %arg6[%get3A_44, %get3A_45, %get3A_46] : memref<1x1x768xf32, #tpu.memory_space<vmem>>, vector<1x1x768xf32>
      %get3A_48 = vector.shape_cast %get3A_47 : vector<1x1x768xf32> to vector<768xf32>
      %broadcast_in_dim3A_49 = vector.shape_cast %get3A_48 : vector<768xf32> to vector<1x768xf32>
      %add3A_50 = vector.broadcast %broadcast_in_dim3A_49 : vector<1x768xf32> to vector<512x768xf32>
      %add3A_51 = arith.addf %get3A_43, %add3A_50 : vector<512x768xf32>
      %get3A_52 = arith.constant 0 : index
      %get3A_53 = arith.constant 0 : index
      %get3A_54 = vector.load %arg7[%get3A_52, %get3A_53] : memref<512x1xf32, #tpu.memory_space<vmem>>, vector<512x1xf32>
      %mul3A = vector.broadcast %get3A_54 : vector<512x1xf32> to vector<512x768xf32>
      %mul3A_55 = arith.mulf %add3A_51, %mul3A : vector<512x768xf32>
      %swap3A_56 = arith.constant 0 : index
      %swap3A_57 = arith.constant 0 : index
      %swap3A_58 = vector.load %arg8[%swap3A_56, %swap3A_57] : memref<512x768xf32, #tpu.memory_space<vmem>>, vector<512x768xf32>
      tpu.vector_store %arg8[%swap3A_56, %swap3A_57], %mul3A_55 {strides = array<i32>} : memref<512x768xf32, #tpu.memory_space<vmem>>, vector<512x768xf32>,
    } else {
    }
    return
  }
  func.func @transform_0(%arg0: i32, %arg1: i32) -> (i32, i32) {
    %min3A = arith.constant 7 : i32
    %min3A_0 = arith.minsi %arg0, %min3A : i32
    %c0_i32 = arith.constant 0 : i32
    %c0_i32_1 = arith.constant 0 : i32
    return %min3A_0, %c0_i32 : i32, i32
  }
  func.func @transform_1(%arg0: i32, %arg1: i32) -> (i32, i32, i32) {
    %min3A = arith.constant 7 : i32
    %min3A_0 = arith.minsi %arg0, %min3A : i32
    %c0_i32 = arith.constant 0 : i32
    %c0_i32_1 = arith.constant 0 : i32
    return %min3A_0, %c0_i32, %arg1 : i32, i32, i32
  }
  func.func @transform_2(%arg0: i32, %arg1: i32) -> (i32, i32, i32, i32) {
    %min3A = arith.constant 7 : i32
    %min3A_0 = arith.minsi %arg0, %min3A : i32
    %c0_i32 = arith.constant 0 : i32
    %c0_i32_1 = arith.constant 0 : i32
    %c0_i32_2 = arith.constant 0 : i32
    return %min3A_0, %arg1, %c0_i32, %c0_i32_1 : i32, i32, i32, i32
  }
  func.func @transform_3(%arg0: i32, %arg1: i32) -> (i32, i32, i32) {
    %min3A = arith.constant 7 : i32
    %min3A_0 = arith.minsi %arg0, %min3A : i32
    %c0_i32 = arith.constant 0 : i32
    %c0_i32_1 = arith.constant 0 : i32
    return %min3A_0, %arg1, %c0_i32 : i32, i32, i32
  }
  func.func @transform_4(%arg0: i32, %arg1: i32) -> (i32, i32, i32) {
    %min3A = arith.constant 7 : i32
    %min3A_0 = arith.minsi %arg0, %min3A : i32
    %c0_i32 = arith.constant 0 : i32
    %c0_i32_1 = arith.constant 0 : i32
    %c0_i32_2 = arith.constant 0 : i32
    return %min3A_0, %c0_i32, %c0_i32_1 : i32, i32, i32
  }
  func.func @transform_5(%arg0: i32, %arg1: i32) -> (i32, i32) {
    %c0_i32 = arith.constant 0 : i32
    %c0_i32_0 = arith.constant 0 : i32
    return %arg0, %c0_i32 : i32, i32
  }
  func.func @transform_6(%arg0: i32, %arg1: i32) -> (i32, i32) {
    %c0_i32 = arith.constant 0 : i32
    %c0_i32_0 = arith.constant 0 : i32
    return %arg0, %c0_i32 : i32, i32
  }
}

</mosaic_0001>

<sc_bundles>
// kernel: kernel.6.cloned.1.call-start
scs
__scs_entry_jumppad:
0x0: {  	(pc) =	sbr.rel $0x88, $3  }
0x1: {  	(tag) =	ssettag $0x0;
	lr =	simm.s32 $0x1  }
0x2: {  	[smem:$0x3F9B] =	sst lr;
	_ =	strace $0xD0000000  }
0x3: {  	_ = 	snop  }
0x4: {  	_ = 	snop  }
0x5: {  	_ = 	snop  }
0x6: {  	_ = 	snop  }
0x7: {  	_ = 	snop  }
__scs_overlays_trampoline_lowered:
0x8: {  	[smem:$0x3FAA] =	sst s0  }
0x9: {  	[smem:$0x3FAB] =	sst s1  }
0xa: {  	[smem:$0x3FAC] =	sst s2  }
0xb: {  	[smem:$0x3FAD] =	sst s3  }
0xc: {  	[smem:$0x3FAE] =	sst s4  }
0xd: {  	[smem:$0x3FAF] =	sst s5  }
0xe: {  	[smem:$0x3FB0] =	sst s6  }
0xf: {  	[smem:$0x3FB1] =	sst s7  }
0x10: {  	[smem:$0x3FB2] =	sst s8  }
0x11: {  	[smem:$0x3FB3] =	sst s9;
	s0 =	simm.s32 @!p0 $0x0  }
0x12: {  	s1 =	sld [smem:$0x3F99];
	s0 =	simm.s32 @p0 $0x1  }
0x13: {  	[smem:$0x3FB4] =	sst s0;
	s0 =	simm.s32 @!p1 $0x0  }
0x14: {  	s2 =	sld [smem:$0x3F98];
	s0 =	simm.s32 @p1 $0x1  }
0x15: {  	[smem:$0x3FB5] =	sst s0;
	s0 =	simm.s32 @!p2 $0x0  }
0x16: {  	s3 =	sld [smem:$0x3FDB];
	s0 =	simm.s32 @p2 $0x1  }
0x17: {  	s4 =	simm.s32 $0x1BF5;
	[smem:$0x3FB7] =	sst s0  }
0x18: {  	s0 =	sld [smem:$0x3F9A];
	_ =	swait.ge [sflag:s4], $0x0  }
0x19: {  	s7 =	sld [smem:$0x3F9B]  }
0x1a: {  	s8 =	sadd.s32 $0xFFFFE003, lr  }
0x1b: {  	s9 =	sadd.s32 $0xFFFFFEF7, lr;
	s5 =	simm.s32 $0xFFFFFFFF;
	p2 =	slt.u32 s8, $0xFFFFF086  }
0x1c: {  	p1 =	slt.u32 s9, $0xF7A;
	s5 =	simm.s32 @!p2 $0x0  }
0x1d: {  	s5 =	simm.s32 @p1 $0x1;
	p0 =	seq.s32 s7, s2  }
0x1e: {  	s7 =	smul.u32 @!p0 $0xF7A, s2;
	p2 =	seq.s32 @!p0 s5, $0x0  }
0x1f: {  	s9 =	smul.u32 $0xF7A, s1;
	s8 =	simm.s32 @!p0 $0x1BF5;
	p2 =	por !p2, p0  }
0x20: {  	[sflag:s8] =	ssyncset.s32 @!p0 $0xFFFFF086;
	s6 =	sadd.s32 @!p0 s3, s7;
	s7 =	simm.s32 @!p0 $0x108  }
0x21: {  	s3 =	sadd.s32 s3, s9;
	s6 =	sadd.s32 @!p0 $0x88, s6;
	s7 =	simm.s32 @p2 $0x1082  }
0x22: {  	[simem:s7], [sflag:s8] =	dma.local @!p0 [hbm:s6], $0xF7A  }
0x23: {  	s9 =	sor.u32 $0xD0000000, s2;
	s6 =	simm.s32 $0x108;
	_ =	swait.ge @!p0 [sflag:s8], $0x0  }
0x24: {  	s3 =	sadd.s32 $0x88, s3;
	s6 =	simm.s32 @!p1 $0x1082;
	[sflag:s4] =	ssyncset.s32 $0xFFFFF086  }
0x25: {  	[simem:s6], [sflag:s4] =	dma.local [hbm:s3], $0xF7A  }
0x26: {  	[smem:$0x3F9B] =	sst s1;
	(tag) =	ssettag s2;
	_ =	strace s9  }
0x27: {  	s1 =	sld [smem:$0x3FAB]  }
0x28: {  	s2 =	sld [smem:$0x3FAC]  }
0x29: {  	s4 =	sld [smem:$0x3FAE]  }
0x2a: {  	p0 =	seq.s32 s5, $0x0;
	s5 =	sld [smem:$0x3FAF]  }
0x2b: {  	s6 =	sld [smem:$0x3FB0]  }
0x2c: {  	s7 =	sld [smem:$0x3FB1]  }
0x2d: {  	s3 =	simm.s32 $0x108;
	s8 =	sld [smem:$0x3FB2]  }
0x2e: {  	s3 =	simm.s32 @!p0 $0x1082;
	s9 =	sld [smem:$0x3FB3]  }
0x2f: {  	lr =	sadd.s32 s0, s3;
	s0 =	sld [smem:$0x3FAA]  }
0x30: {  	s3 =	sld [smem:$0x3FAD]  }
0x31: {  	[smem:$0x3FB6] =	sst s10  }
0x32: {  	s10 =	sld [smem:$0x3FB4];
	_ =	sdelay $0x3  }
0x33: {  	p0 =	seq.s32 s10, $0x1;
	s10 =	sld [smem:$0x3FB6];
	_ =	sdelay $0x3  }
0x34: {  	[smem:$0x3FB6] =	sst s10  }
0x35: {  	s10 =	sld [smem:$0x3FB5];
	_ =	sdelay $0x3  }
0x36: {  	p1 =	seq.s32 s10, $0x1;
	s10 =	sld [smem:$0x3FB6];
	_ =	sdelay $0x3  }
0x37: {  	[smem:$0x3FB6] =	sst s10  }
0x38: {  	s10 =	sld [smem:$0x3FB7]  }
0x39: {  	_ = 	snop;
	(pc) =	sbr.ind lr, $3  }
0x3a: {  	_ = 	snop  }
0x3b: {  	_ = 	snop  }
0x3c: {  	p2 =	seq.s32 s10, $0x1;
	s10 =	sld [smem:$0x3FB6]  }
0x3d: {  	_ =	shalt  }
0x3e: {  	_ =	shalt  }
0x3f: {  	_ =	shalt  }
0x40: {  	_ =	shalt  }
0x41: {  	_ =	shalt  }
0x42: {  	_ =	shalt  }
0x43: {  	_ =	shalt  }
0x44: {  	_ =	shalt  }
0x45: {  	_ =	shalt  }
0x46: {  	_ =	shalt  }
0x47: {  	_ =	shalt  }
0x48: {  	_ =	shalt  }
0x49: {  	_ =	shalt  }
0x4a: {  	_ =	shalt  }
0x4b: {  	_ =	shalt  }
0x4c: {  	_ =	shalt  }
0x4d: {  	_ =	shalt  }
0x4e: {  	_ =	shalt  }
0x4f: {  	_ =	shalt  }
0x50: {  	_ =	shalt  }
0x51: {  	_ =	shalt  }
0x52: {  	_ =	shalt  }
0x53: {  	_ =	shalt  }
0x54: {  	_ =	shalt  }
0x55: {  	_ =	shalt  }
0x56: {  	_ =	shalt  }
0x57: {  	_ =	shalt  }
0x58: {  	_ =	shalt  }
0x59: {  	_ =	shalt  }
0x5a: {  	_ =	shalt  }
0x5b: {  	_ =	shalt  }
0x5c: {  	_ =	shalt  }
0x5d: {  	_ =	shalt  }
0x5e: {  	_ =	shalt  }
0x5f: {  	_ =	shalt  }
0x60: {  	_ =	shalt  }
0x61: {  	_ =	shalt  }
0x62: {  	_ =	shalt  }
0x63: {  	_ =	shalt  }
0x64: {  	_ =	shalt  }
0x65: {  	_ =	shalt  }
0x66: {  	_ =	shalt  }
0x67: {  	_ =	shalt  }
0x68: {  	_ =	shalt  }
0x69: {  	_ =	shalt  }
0x6a: {  	_ =	shalt  }
0x6b: {  	_ =	shalt  }
0x6c: {  	_ =	shalt  }
0x6d: {  	_ =	shalt  }
0x6e: {  	_ =	shalt  }
0x6f: {  	_ =	shalt  }
0x70: {  	_ =	shalt  }
0x71: {  	_ =	shalt  }
0x72: {  	_ =	shalt  }
0x73: {  	_ =	shalt  }
0x74: {  	_ =	shalt  }
0x75: {  	_ =	shalt  }
0x76: {  	_ =	shalt  }
0x77: {  	_ =	shalt  }
0x78: {  	_ =	shalt  }
0x79: {  	_ =	shalt  }
0x7a: {  	_ =	shalt  }
0x7b: {  	_ =	shalt  }
0x7c: {  	_ =	shalt  }
0x7d: {  	_ =	shalt  }
0x7e: {  	_ =	shalt  }
0x7f: {  	_ =	shalt  }
0x80: {  	_ =	shalt  }
0x81: {  	_ =	shalt  }
0x82: {  	_ =	shalt  }
0x83: {  	_ =	shalt  }
0x84: {  	_ =	shalt  }
0x85: {  	_ =	shalt  }
0x86: {  	_ =	shalt  }
0x87: {  	_ =	shalt  }
.Lfunc_end0:
.L_simem_size_0:
called_computation_lowered:
.L_overlay_start_0:
0x88: {  	s2 =	sld [smem:$0x3FD9]  }
0x89: {  	s3 =	sld [smem:$0x3FFE];
	_ =	sdelay $0x1  }
0x8a: {  	s1 =	srdreg.scid  }
0x8b: {  	s0 =	sand.u32 $0x1, s1  }
0x8c: {  	s14 =	sshll.u32 s0, $0xA;
	s2 =	sadd.s32 s3, s2  }
0x8d: {  	s2 =	sadd.s32 s2, s14  }
0x8e: {  	[smem:$0x3FC2] =	sst s2  }
0x8f: {  	_ = 	snop  }
0x90: {  	s2 =	sld [smem:$0x3FD0];
	_ =	sdelay $0x2  }
0x91: {  	s4 =	simm.s32 $0xA;
	s5 =	simm.s32 $0x10;
	s15 =	sld [smem:$0x3FC9]  }
0x92: {  	[smem:s5], [sflag:s4] =	dma.local [hbm:s2], $0x1  }
0x93: {  	_ =	swait.eq [sflag:s4], $0x1  }
0x94: {  	[sflag:s4] =	ssyncset.done $0x0  }
0x95: {  	[sflag:s4] =	ssyncadd.s32 $0xFFFFFFFF  }
0x96: {  	s16 =	sld [smem:$0x10];
	(tm) =	ssettm $0x1  }
0x97: {  	s17 =	sld [smem:$0x3FFB];
	_ =	sdelay $0x3  }
0x98: {  	_ =	strace s17  }
0x99: {  	s4 =	sld [smem:$0x3FFC];
	_ =	sdelay $0x3  }
0x9a: {  	_ =	strace s4  }
0x9b: {  	s4 =	sld [smem:$0x3FFD];
	_ =	sdelay $0x3  }
0x9c: {  	_ =	strace s4  }
0x9d: {  	_ =	strace $0x8FFFFFFF  }
0x9e: {  	s18 =	sld [smem:$0x3FDB];
	_ =	sdelay $0x1  }
0x9f: {  	s19 =	simm.s32 $_scs_section_size  }
0xa0: {  	s6 =	simm.s32 $_size__tile_overlayer_lowered;
	s7 =	simm.s32 $_tile_overlayer_lowered  }
0xa1: {  	s22 =	simm.s32 $0x1BFF;
	s21 =	sshll.u32 s7, $0x1;
	s4 =	sadd.s32 s19, s18  }
0xa2: {  	s8 =	simm.s32 $0x0;
	s20 =	sshll.u32 s6, $0x1;
	s6 =	sadd.s32 s21, s4  }
0xa3: {  	[timem:s8], [sflag:s22] =	dma.local [hbm:s6], s20  }
0xa4: {  	_ =	swait.ge [sflag:s22], s20  }
0xa5: {  	s5 =	ssub.s32 $0x0, s20;
	[sflag:s22] =	ssyncset.done $0x0  }
0xa6: {  	[sflag:s22] =	ssyncadd.s32 s5;
	_ =	sdelay $0x1  }
0xa7: {  	s23 =	simm.s32 $0x1B8B  }
0xa8: {  	_ =	swait.ge [sflag:s23], $0x1  }
0xa9: {  	[sflag:s23] =	ssyncset.done $0x0  }
0xaa: {  	s25 =	simm.s32 $0x1B8E;
	s24 =	sld [smem:$0x3FFE];
	[sflag:s23] =	ssyncadd.s32 $0xFFFFFFFF  }
0xab: {  	s26 =	simm.s32 $execute0_lowered;
	[smem:$0x3FD2] =	sst s25  }
0xac: {  	s6 =	sshll.u32 s26, $0x1;
	_ =	strace $0x80000046;
	[dreg:$0x1] =	wrdreg $0xFFFFFFFF  }
0xad: {  	s28 =	simm.s32 $_size_execute0_lowered;
	s4 =	sadd.s32 s4, s6;
	[dreg:$0x0] =	wrdreg $0x0  }
0xae: {  	s6 =	sshll.u32 s28, $0x1;
	[dreg:$0x2] =	wrdreg s4  }
0xaf: {  	[dreg:$0x3] =	wrdreg s6  }
0xb0: {  	[dreg:$0x4] =	wrdreg $0xC0  }
0xb1: {  	_ =	task [dreg:s8], $0x5FFFF  }
0xb2: {  	[dreg:$0x1] =	wrdreg $0xFFFFFFFF  }
0xb3: {  	[dreg:$0x0] =	wrdreg $0x60  }
0xb4: {  	[dreg:$0x2] =	wrdreg s24  }
0xb5: {  	[dreg:$0x3] =	wrdreg s15  }
0xb6: {  	[dreg:$0x4] =	wrdreg s16  }
0xb7: {  	[dreg:$0x5] =	wrdreg $0x9  }
0xb8: {  	_ =	task.clear_ibuf [dreg:s8], $0x6FFFF;
	_ =	strace $0x90000046  }
0xb9: {  	s29 =	simm.s32 $0x9;
	_ =	strace $0x80000048  }
0xba: {  	_ =	swait.ge [sflag:s29], $0x1  }
0xbb: {  	[sflag:s29] =	ssyncadd.s32 $0xFFFFFFFF  }
0xbc: {  	_ =	strace $0x90000048  }
0xbd: {  	_ =	sfence  }
0xbe: {  	s30 =	sld [smem:$0x0];
	_ =	sdelay $0x2  }
0xbf: {  	s31 =	sshll.u32 s1, $0xD;
	s1 =	sshrl.u32 s1, $0x2  }
0xc0: {  	s3 =	sand.u32 $0x4000, s31;
	s1 =	sadd.s32 s1, s30  }
0xc1: {  	s0 =	sor.u32 s3, s0;
	s1 =	sshll.u32 s1, $0x11  }
0xc2: {  	s0 =	sor.u32 s1, s0  }
0xc3: {  	s0 =	sadd.s32 $0x8F2B, s0  }
0xc4: {  	[sflag:s0] =	ssyncadd.remote.s32 $0x1  }
0xc5: {  	_ =	sfence.sel $0xFFFF  }
0xc6: {  	[dreg:$0x0] =	wrdreg $0xFFFFFFFF;
	(pc) =	sbr.abs _section_cstart, $3  }
0xc7: {  	[dreg:$0x1] =	wrdreg $0xFFFFFFFF  }
0xc8: {  	_ =	task.clear_ibuf [dreg:s8], $0x2FFFF;
	_ =	strace $0x9FFFFFFF  }
0xc9: {  	(tm) =	ssettm $0x7FFFFFFF  }
tec
execute0_lowered:
.L_overlay_start_1:
0x0: {  	(tag) =	ssettag $0x1  }
0x1: {  	s1 =	rddreg [dreg:$0x0]  }
0x2: {  	s0 =	srdreg.scid;
	s2 =	rddreg [dreg:$0x1]  }
0x3: {  	s3 =	stileid.u32;
	s6 =	rddreg [dreg:$0x2];
	s11 =	simm.s32 $0x2  }
0x4: {  	s12 =	simm.s32 $0x800;
	s13 =	simm.s32 $0x1000;
	s15 =	simm.s32 $0x1100  }
0x5: {  	s23 =	simm.s32 $0x17100;
	s24 =	simm.s32 $0x17900;
	s25 =	simm.s32 $0x18100  }
0x6: {  	s26 =	simm.s32 $0x18900;
	s28 =	simm.s32 $0x1;
	s0 =	sand.u32 $0x1, s0  }
0x7: {  	s29 =	simm.s32 $0x0;
	s3 =	sshll.u32 s3, $0x8;
	s4 =	sshll.u32 s0, $0x7  }
0x8: {  	s5 =	sadd.s32 $0x1800, s1;
	s0 =	ssub.s32 $0x2, s0;
	s14 =	sor.u32 s4, s3  }
0x9: {  	s3 =	simm.s32 $0x0;
	s4 =	sadd.s32 $0x1600, s1;
	s9 =	sshrl.u32 s0, $0x1  }
0xa: {  	s7 =	sshrl.u32 s14, $0x3;
	[smem:$0x7FF] =	sst s3;
	s0 =	ssub.s32 s0, s9  }
0xb: {  	v1 =	vlaneseq.u32;
	vm0 =	vmmov $0xffff;
	s16 =	sor.u32 $0x10, s14;
	s17 =	sor.u32 $0x20, s14;
	s18 =	sor.u32 $0x30, s14  }
0xc: {  	v11 =	vshrl.u32 v1, $0x3;
	v10 =	vand.u32 $0x7, v1;
	v12 =	vor.u32 $0x8, v1;
	s19 =	sor.u32 $0x40, s14;
	s20 =	sor.u32 $0x50, s14;
	s21 =	sor.u32 $0x60, s14  }
0xd: {  	v11 =	vmul.u32 $0x8, v11;
	s22 =	sor.u32 $0x70, s14;
	v0 =	vmov s14;
	v2 =	vor.u32 s14, v1;
	s14 =	simm.s32 $0x13100;
	s8 =	smul.u32 $0x300, s7  }
0xe: {  	_ =	strace $0x80000047;
	s6 =	sadd.s32 s6, s7;
	s7 =	sadd.s32 $0x100, s2;
	v3 =	vor.u32 s16, v1;
	v4 =	vor.u32 s17, v1;
	v5 =	vor.u32 s18, v1  }
0xf: {  	s10 =	smax.u32 s0, $0x1;
	v6 =	vor.u32 s19, v1;
	v7 =	vor.u32 s20, v1;
	v8 =	vor.u32 s21, v1;
	s0 =	simm.s32 $0x12900;
	s16 =	simm.s32 $0x13900  }
0x10: {  	v9 =	vor.u32 s22, v1;
	v2 =	vand.u32 $0x78F, v2;
	s17 =	simm.s32 $0x14100;
	s18 =	simm.s32 $0x14900;
	s19 =	simm.s32 $0x15100;
	v3 =	vand.u32 $0x79F, v3  }
0x11: {  	s20 =	simm.s32 $0x15900;
	s21 =	simm.s32 $0x16100;
	v4 =	vand.u32 $0x7AF, v4;
	v5 =	vand.u32 $0x7BF, v5;
	v6 =	vand.u32 $0x7CF, v6;
	s1 =	sadd.s32 s8, s1  }
0x12: {  	s22 =	simm.s32 $0x16900;
	v7 =	vand.u32 $0x7DF, v7;
	v8 =	vand.u32 $0x7EF, v8;
	v9 =	vand.u32 $0x7FF, v9;
	s8 =	sadd.s32 $0x200, s2;
	s9 =	sadd.s32 $0x1A00, s1  }
.LBB2_1:
0x13: {  	[tilespmem:s3], [sflag:$0x2] =	stream.linear.gather [hbm4b:s4+s3], $0x800, $0x38;
	[tilespmem:$0x19100] =	vst v63  }
0x14: {  	_ =	swait.ge [sflag:s11], $0x800  }
0x15: {  	[sflag:s11] =	ssyncset.done $0x0  }
0x16: {  	[sflag:s11] =	ssyncadd.s32 $0xFFFFF800  }
0x17: {  	[tilespmem:s12], [sflag:$0x2] =	stream.linear.gather [hbm4b:s5+s3], $0x800, $0x38;
	[tilespmem:$0x19100] =	vst v63  }
0x18: {  	_ =	swait.ge [sflag:s11], $0x800  }
0x19: {  	[sflag:s11] =	ssyncset.done $0x0  }
0x1a: {  	[sflag:s11] =	ssyncadd.s32 $0xFFFFF800  }
0x1b: {  	[tilespmem:$0x1000] =	vst v2  }
0x1c: {  	[tilespmem:$0x1010] =	vst v3  }
0x1d: {  	[tilespmem:$0x1020] =	vst v4  }
0x1e: {  	[tilespmem:$0x1030] =	vst v5  }
0x1f: {  	[tilespmem:$0x1040] =	vst v6  }
0x20: {  	[tilespmem:$0x1050] =	vst v7  }
0x21: {  	[tilespmem:$0x1060] =	vst v8  }
0x22: {  	[tilespmem:$0x1070] =	vst v9  }
0x23: {  	s31 =	simm.s32 $0x10;
	s30 =	simm.s32 $0x0;
	s1 =	simm.s32 $0x0;
	v13 =	vld [tilespmem:s3+$0x0]  }
.LBB2_2:
0x24: {  	p0 =	sne.s32 s31, $0x7F0;
	_ =	sdelay $0x3  }
0x25: {  	v14 =	vsub.s32 v13, v0  }
0x26: {  	v13 =	vand.u32 $0x7F, v13;
	vm1 =	vlt.u32 v14, $0x80;
	v14 =	vand.u32 $0xFFFFFF80, v14  }
0x27: {  	v13 =	vor.u32 v13, v14;
	_ =	sdelay $0x1  }
.Ltmp0:
0x28: {  	(pc) =	sbr.rel @p0 .LBB2_2-.Ltmp0, $4  }
0x29: {  	_ = 	snop  }
0x2a: {  	v14 =	vor.u32 s30, v1;
	s30 =	smov.u32 s31  }
0x2b: {  	s1 =	sadd.s32 $0x10, s1;
	[tilespmem:v13+s13+$0x0] =	vst.idx.msk vm1, v14  }
0x2c: {  	s31 =	sadd.s32 $0x10, s31;
	v13 =	vld [tilespmem:s1+$0x0]  }
0x2d: {  	_ =	sdelay $0x3  }
0x2e: {  	v14 =	vsub.s32 v13, v0  }
0x2f: {  	v13 =	vand.u32 $0x7F, v13;
	vm1 =	vlt.u32 v14, $0x80;
	v14 =	vand.u32 $0xFFFFFF80, v14  }
0x30: {  	v13 =	vor.u32 v13, v14;
	_ =	sdelay $0x3  }
0x31: {  	v14 =	vor.u32 s30, v1  }
0x32: {  	[tilespmem:v13+s13+$0x0] =	vst.idx.msk vm1, v14  }
0x33: {  	v13 =	vld [tilespmem:$0x1000];
	_ =	sdelay $0x5  }
0x34: {  	v14 =	vld [tilespmem:$0x1010];
	_ =	sdelay $0x1  }
0x35: {  	v13 =	vld.idx.msk [tilespmem:v13+s12+$0x0], $0xffff;
	_ =	sdelay $0x3  }
0x36: {  	v15 =	vld [tilespmem:$0x1020]  }
0x37: {  	[tilespmem:$0x1080] =	vst v13  }
0x38: {  	v13 =	vld.idx.msk [tilespmem:v14+s12+$0x0], $0xffff;
	_ =	sdelay $0x3  }
0x39: {  	v14 =	vld [tilespmem:$0x1030]  }
0x3a: {  	[tilespmem:$0x1090] =	vst v13  }
0x3b: {  	v13 =	vld.idx.msk [tilespmem:v15+s12+$0x0], $0xffff;
	_ =	sdelay $0x3  }
0x3c: {  	v15 =	vld [tilespmem:$0x1040]  }
0x3d: {  	[tilespmem:$0x10A0] =	vst v13  }
0x3e: {  	v13 =	vld.idx.msk [tilespmem:v14+s12+$0x0], $0xffff;
	_ =	sdelay $0x3  }
0x3f: {  	v14 =	vld [tilespmem:$0x1050]  }
0x40: {  	[tilespmem:$0x10B0] =	vst v13  }
0x41: {  	v13 =	vld.idx.msk [tilespmem:v15+s12+$0x0], $0xffff;
	_ =	sdelay $0x3  }
0x42: {  	v15 =	vld [tilespmem:$0x1060]  }
0x43: {  	[tilespmem:$0x10C0] =	vst v13  }
0x44: {  	v13 =	vld.idx.msk [tilespmem:v14+s12+$0x0], $0xffff;
	_ =	sdelay $0x3  }
0x45: {  	v14 =	vld [tilespmem:$0x1070]  }
0x46: {  	[tilespmem:$0x10D0] =	vst v13  }
0x47: {  	v13 =	vld.idx.msk [tilespmem:v15+s12+$0x0], $0xffff;
	_ =	sdelay $0x4  }
0x48: {  	[tilespmem:$0x10E0] =	vst v13  }
0x49: {  	v13 =	vld.idx.msk [tilespmem:v14+s12+$0x0], $0xffff;
	_ =	sdelay $0x4  }
0x4a: {  	s1 =	simm.s32 $0x1080;
	[tilespmem:$0x10F0] =	vst v13  }
0x4b: {  	[hbm4b:s6+s3] =	stream.linear.scatter [tilespmem:s1], [sflag:$0x2], $0x80, $0x38;
	[tilespmem:$0x19100] =	vst v63  }
0x4c: {  	_ =	swait.ge [sflag:s11], $0x80  }
0x4d: {  	[sflag:s11] =	ssyncset.done $0x0  }
0x4e: {  	[sflag:s11] =	ssyncadd.s32 $0xFFFFFF80  }
0x4f: {  	v13 =	vld [tilespmem:$0x1000];
	_ =	sdelay $0x4  }
0x50: {  	v14 =	vshrl.u32 v13, $0x3  }
0x51: {  	v14 =	vmul.u32 $0x30, v14  }
0x52: {  	v13 =	vand.u32 $0x7, v13  }
0x53: {  	v13 =	vor.u32 v13, v14  }
0x54: {  	v14 =	vperm.xlane v13, v10;
	_ =	sdelay $0x1  }
0x55: {  	v14 =	vadd.s32 v11, v14;
	_ =	sdelay $0x3  }
0x56: {  	v13 =	vperm.xlane v13, v12  }
0x57: {  	[tilespmem:s15], [sflag:$0x1] =	stream.indirect_vreg.gather [hbm4b:s2+s3], $0x80, v14, vm0, $0xb8;
	[tilespmem:$0x19100] =	vst v63  }
0x58: {  	s30 =	simm.s32 $0x1900;
	v13 =	vadd.s32 v11, v13  }
0x59: {  	[tilespmem:s30], [sflag:$0x1] =	stream.indirect_vreg.gather [hbm4b:s7+s3], $0x80, v14, vm0, $0xb8;
	[tilespmem:$0x19100] =	vst v63  }
0x5a: {  	s31 =	simm.s32 $0x2100  }
0x5b: {  	[tilespmem:s31], [sflag:$0x1] =	stream.indirect_vreg.gather [hbm4b:s8+s3], $0x80, v14, vm0, $0xb8;
	[tilespmem:$0x19100] =	vst v63  }
0x5c: {  	s30 =	simm.s32 $0x2900  }
0x5d: {  	[tilespmem:s30], [sflag:$0x1] =	stream.indirect_vreg.gather [hbm4b:s2+s3], $0x80, v13, vm0, $0xb8;
	[tilespmem:$0x19100] =	vst v63  }
0x5e: {  	s31 =	simm.s32 $0x3100  }
0x5f: {  	[tilespmem:s31], [sflag:$0x1] =	stream.indirect_vreg.gather [hbm4b:s7+s3], $0x80, v13, vm0, $0xb8;
	[tilespmem:$0x19100] =	vst v63  }
0x60: {  	s30 =	simm.s32 $0x3900  }
0x61: {  	[tilespmem:s30], [sflag:$0x1] =	stream.indirect_vreg.gather [hbm4b:s8+s3], $0x80, v13, vm0, $0xb8;
	[tilespmem:$0x19100] =	vst v63  }
0x62: {  	v13 =	vld [tilespmem:$0x1010];
	_ =	sdelay $0x4  }
0x63: {  	v14 =	vshrl.u32 v13, $0x3  }
0x64: {  	v14 =	vmul.u32 $0x30, v14  }
0x65: {  	v13 =	vand.u32 $0x7, v13  }
0x66: {  	v13 =	vor.u32 v13, v14  }
0x67: {  	v14 =	vperm.xlane v13, v10;
	_ =	sdelay $0x1  }
0x68: {  	v14 =	vadd.s32 v11, v14;
	_ =	sdelay $0x3  }
0x69: {  	s31 =	simm.s32 $0x4100;
	v13 =	vperm.xlane v13, v12  }
0x6a: {  	[tilespmem:s31], [sflag:$0x1] =	stream.indirect_vreg.gather [hbm4b:s2+s3], $0x80, v14, vm0, $0xb8;
	[tilespmem:$0x19100] =	vst v63  }
0x6b: {  	s30 =	simm.s32 $0x4900;
	v13 =	vadd.s32 v11, v13  }
0x6c: {  	[tilespmem:s30], [sflag:$0x1] =	stream.indirect_vreg.gather [hbm4b:s7+s3], $0x80, v14, vm0, $0xb8;
	[tilespmem:$0x19100] =	vst v63  }
0x6d: {  	s31 =	simm.s32 $0x5100  }
0x6e: {  	[tilespmem:s31], [sflag:$0x1] =	stream.indirect_vreg.gather [hbm4b:s8+s3], $0x80, v14, vm0, $0xb8;
	[tilespmem:$0x19100] =	vst v63  }
0x6f: {  	s30 =	simm.s32 $0x5900  }
0x70: {  	[tilespmem:s30], [sflag:$0x1] =	stream.indirect_vreg.gather [hbm4b:s2+s3], $0x80, v13, vm0, $0xb8;
	[tilespmem:$0x19100] =	vst v63  }
0x71: {  	s31 =	simm.s32 $0x6100  }
0x72: {  	[tilespmem:s31], [sflag:$0x1] =	stream.indirect_vreg.gather [hbm4b:s7+s3], $0x80, v13, vm0, $0xb8;
	[tilespmem:$0x19100] =	vst v63  }
0x73: {  	s30 =	simm.s32 $0x6900  }
0x74: {  	[tilespmem:s30], [sflag:$0x1] =	stream.indirect_vreg.gather [hbm4b:s8+s3], $0x80, v13, vm0, $0xb8;
	[tilespmem:$0x19100] =	vst v63  }
0x75: {  	v13 =	vld [tilespmem:$0x1020];
	_ =	sdelay $0x4  }
0x76: {  	v14 =	vshrl.u32 v13, $0x3  }
0x77: {  	v14 =	vmul.u32 $0x30, v14  }
0x78: {  	v13 =	vand.u32 $0x7, v13  }
0x79: {  	v13 =	vor.u32 v13, v14  }
0x7a: {  	v14 =	vperm.xlane v13, v10;
	_ =	sdelay $0x1  }
0x7b: {  	v14 =	vadd.s32 v11, v14;
	_ =	sdelay $0x3  }
0x7c: {  	s31 =	simm.s32 $0x7100;
	v13 =	vperm.xlane v13, v12  }
0x7d: {  	[tilespmem:s31], [sflag:$0x1] =	stream.indirect_vreg.gather [hbm4b:s2+s3], $0x80, v14, vm0, $0xb8;
	[tilespmem:$0x19100] =	vst v63  }
0x7e: {  	s30 =	simm.s32 $0x7900;
	v13 =	vadd.s32 v11, v13  }
0x7f: {  	[tilespmem:s30], [sflag:$0x1] =	stream.indirect_vreg.gather [hbm4b:s7+s3], $0x80, v14, vm0, $0xb8;
	[tilespmem:$0x19100] =	vst v63  }
0x80: {  	s31 =	simm.s32 $0x8100  }
0x81: {  	[tilespmem:s31], [sflag:$0x1] =	stream.indirect_vreg.gather [hbm4b:s8+s3], $0x80, v14, vm0, $0xb8;
	[tilespmem:$0x19100] =	vst v63  }
0x82: {  	s30 =	simm.s32 $0x8900  }
0x83: {  	[tilespmem:s30], [sflag:$0x1] =	stream.indirect_vreg.gather [hbm4b:s2+s3], $0x80, v13, vm0, $0xb8;
	[tilespmem:$0x19100] =	vst v63  }
0x84: {  	s31 =	simm.s32 $0x9100  }
0x85: {  	[tilespmem:s31], [sflag:$0x1] =	stream.indirect_vreg.gather [hbm4b:s7+s3], $0x80, v13, vm0, $0xb8;
	[tilespmem:$0x19100] =	vst v63  }
0x86: {  	s30 =	simm.s32 $0x9900  }
0x87: {  	[tilespmem:s30], [sflag:$0x1] =	stream.indirect_vreg.gather [hbm4b:s8+s3], $0x80, v13, vm0, $0xb8;
	[tilespmem:$0x19100] =	vst v63  }
0x88: {  	v13 =	vld [tilespmem:$0x1030];
	_ =	sdelay $0x4  }
0x89: {  	v14 =	vshrl.u32 v13, $0x3  }
0x8a: {  	v14 =	vmul.u32 $0x30, v14  }
0x8b: {  	v13 =	vand.u32 $0x7, v13  }
0x8c: {  	v13 =	vor.u32 v13, v14  }
0x8d: {  	v14 =	vperm.xlane v13, v10;
	_ =	sdelay $0x1  }
0x8e: {  	v14 =	vadd.s32 v11, v14;
	_ =	sdelay $0x3  }
0x8f: {  	s31 =	simm.s32 $0xA100;
	v13 =	vperm.xlane v13, v12  }
0x90: {  	[tilespmem:s31], [sflag:$0x1] =	stream.indirect_vreg.gather [hbm4b:s2+s3], $0x80, v14, vm0, $0xb8;
	[tilespmem:$0x19100] =	vst v63  }
0x91: {  	s30 =	simm.s32 $0xA900;
	v13 =	vadd.s32 v11, v13  }
0x92: {  	[tilespmem:s30], [sflag:$0x1] =	stream.indirect_vreg.gather [hbm4b:s7+s3], $0x80, v14, vm0, $0xb8;
	[tilespmem:$0x19100] =	vst v63  }
0x93: {  	s31 =	simm.s32 $0xB100  }
0x94: {  	[tilespmem:s31], [sflag:$0x1] =	stream.indirect_vreg.gather [hbm4b:s8+s3], $0x80, v14, vm0, $0xb8;
	[tilespmem:$0x19100] =	vst v63  }
0x95: {  	s30 =	simm.s32 $0xB900  }
0x96: {  	[tilespmem:s30], [sflag:$0x1] =	stream.indirect_vreg.gather [hbm4b:s2+s3], $0x80, v13, vm0, $0xb8;
	[tilespmem:$0x19100] =	vst v63  }
0x97: {  	s31 =	simm.s32 $0xC100  }
0x98: {  	[tilespmem:s31], [sflag:$0x1] =	stream.indirect_vreg.gather [hbm4b:s7+s3], $0x80, v13, vm0, $0xb8;
	[tilespmem:$0x19100] =	vst v63  }
0x99: {  	s30 =	simm.s32 $0xC900  }
0x9a: {  	[tilespmem:s30], [sflag:$0x1] =	stream.indirect_vreg.gather [hbm4b:s8+s3], $0x80, v13, vm0, $0xb8;
	[tilespmem:$0x19100] =	vst v63  }
0x9b: {  	v13 =	vld [tilespmem:$0x1040];
	_ =	sdelay $0x4  }
0x9c: {  	v14 =	vshrl.u32 v13, $0x3  }
0x9d: {  	v14 =	vmul.u32 $0x30, v14  }
0x9e: {  	v13 =	vand.u32 $0x7, v13  }
0x9f: {  	v13 =	vor.u32 v13, v14  }
0xa0: {  	v14 =	vperm.xlane v13, v10;
	_ =	sdelay $0x1  }
0xa1: {  	v14 =	vadd.s32 v11, v14;
	_ =	sdelay $0x3  }
0xa2: {  	s31 =	simm.s32 $0xD100;
	v13 =	vperm.xlane v13, v12  }
0xa3: {  	[tilespmem:s31], [sflag:$0x1] =	stream.indirect_vreg.gather [hbm4b:s2+s3], $0x80, v14, vm0, $0xb8;
	[tilespmem:$0x19100] =	vst v63  }
0xa4: {  	s30 =	simm.s32 $0xD900;
	v13 =	vadd.s32 v11, v13  }
0xa5: {  	[tilespmem:s30], [sflag:$0x1] =	stream.indirect_vreg.gather [hbm4b:s7+s3], $0x80, v14, vm0, $0xb8;
	[tilespmem:$0x19100] =	vst v63  }
0xa6: {  	s31 =	simm.s32 $0xE100  }
0xa7: {  	[tilespmem:s31], [sflag:$0x1] =	stream.indirect_vreg.gather [hbm4b:s8+s3], $0x80, v14, vm0, $0xb8;
	[tilespmem:$0x19100] =	vst v63  }
0xa8: {  	s30 =	simm.s32 $0xE900  }
0xa9: {  	[tilespmem:s30], [sflag:$0x1] =	stream.indirect_vreg.gather [hbm4b:s2+s3], $0x80, v13, vm0, $0xb8;
	[tilespmem:$0x19100] =	vst v63  }
0xaa: {  	s31 =	simm.s32 $0xF100  }
0xab: {  	[tilespmem:s31], [sflag:$0x1] =	stream.indirect_vreg.gather [hbm4b:s7+s3], $0x80, v13, vm0, $0xb8;
	[tilespmem:$0x19100] =	vst v63  }
0xac: {  	s30 =	simm.s32 $0xF900  }
0xad: {  	[tilespmem:s30], [sflag:$0x1] =	stream.indirect_vreg.gather [hbm4b:s8+s3], $0x80, v13, vm0, $0xb8;
	[tilespmem:$0x19100] =	vst v63  }
0xae: {  	v13 =	vld [tilespmem:$0x1050];
	_ =	sdelay $0x4  }
0xaf: {  	v14 =	vshrl.u32 v13, $0x3  }
0xb0: {  	v14 =	vmul.u32 $0x30, v14  }
0xb1: {  	v13 =	vand.u32 $0x7, v13  }
0xb2: {  	v13 =	vor.u32 v13, v14  }
0xb3: {  	v14 =	vperm.xlane v13, v10;
	_ =	sdelay $0x1  }
0xb4: {  	v14 =	vadd.s32 v11, v14;
	_ =	sdelay $0x3  }
0xb5: {  	s31 =	simm.s32 $0x10100;
	v13 =	vperm.xlane v13, v12  }
0xb6: {  	[tilespmem:s31], [sflag:$0x1] =	stream.indirect_vreg.gather [hbm4b:s2+s3], $0x80, v14, vm0, $0xb8;
	[tilespmem:$0x19100] =	vst v63  }
0xb7: {  	s30 =	simm.s32 $0x10900;
	v13 =	vadd.s32 v11, v13  }
0xb8: {  	[tilespmem:s30], [sflag:$0x1] =	stream.indirect_vreg.gather [hbm4b:s7+s3], $0x80, v14, vm0, $0xb8;
	[tilespmem:$0x19100] =	vst v63  }
0xb9: {  	s31 =	simm.s32 $0x11100  }
0xba: {  	[tilespmem:s31], [sflag:$0x1] =	stream.indirect_vreg.gather [hbm4b:s8+s3], $0x80, v14, vm0, $0xb8;
	[tilespmem:$0x19100] =	vst v63  }
0xbb: {  	s30 =	simm.s32 $0x11900  }
0xbc: {  	[tilespmem:s30], [sflag:$0x1] =	stream.indirect_vreg.gather [hbm4b:s2+s3], $0x80, v13, vm0, $0xb8;
	[tilespmem:$0x19100] =	vst v63  }
0xbd: {  	s31 =	simm.s32 $0x12100  }
0xbe: {  	[tilespmem:s31], [sflag:$0x1] =	stream.indirect_vreg.gather [hbm4b:s7+s3], $0x80, v13, vm0, $0xb8;
	[tilespmem:$0x19100] =	vst v63  }
0xbf: {  	_ = 	snop  }
0xc0: {  	[tilespmem:s0], [sflag:$0x1] =	stream.indirect_vreg.gather [hbm4b:s8+s3], $0x80, v13, vm0, $0xb8;
	[tilespmem:$0x19100] =	vst v63  }
0xc1: {  	v13 =	vld [tilespmem:$0x1060];
	_ =	sdelay $0x4  }
0xc2: {  	v14 =	vshrl.u32 v13, $0x3  }
0xc3: {  	v14 =	vmul.u32 $0x30, v14  }
0xc4: {  	v13 =	vand.u32 $0x7, v13  }
0xc5: {  	v13 =	vor.u32 v13, v14  }
0xc6: {  	v14 =	vperm.xlane v13, v10;
	_ =	sdelay $0x1  }
0xc7: {  	v14 =	vadd.s32 v11, v14;
	_ =	sdelay $0x3  }
0xc8: {  	v13 =	vperm.xlane v13, v12  }
0xc9: {  	[tilespmem:s14], [sflag:$0x1] =	stream.indirect_vreg.gather [hbm4b:s2+s3], $0x80, v14, vm0, $0xb8;
	[tilespmem:$0x19100] =	vst v63  }
0xca: {  	v13 =	vadd.s32 v11, v13  }
0xcb: {  	[tilespmem:s16], [sflag:$0x1] =	stream.indirect_vreg.gather [hbm4b:s7+s3], $0x80, v14, vm0, $0xb8;
	[tilespmem:$0x19100] =	vst v63  }
0xcc: {  	_ = 	snop  }
0xcd: {  	[tilespmem:s17], [sflag:$0x1] =	stream.indirect_vreg.gather [hbm4b:s8+s3], $0x80, v14, vm0, $0xb8;
	[tilespmem:$0x19100] =	vst v63  }
0xce: {  	_ = 	snop  }
0xcf: {  	[tilespmem:s18], [sflag:$0x1] =	stream.indirect_vreg.gather [hbm4b:s2+s3], $0x80, v13, vm0, $0xb8;
	[tilespmem:$0x19100] =	vst v63  }
0xd0: {  	_ = 	snop  }
0xd1: {  	[tilespmem:s19], [sflag:$0x1] =	stream.indirect_vreg.gather [hbm4b:s7+s3], $0x80, v13, vm0, $0xb8;
	[tilespmem:$0x19100] =	vst v63  }
0xd2: {  	_ = 	snop  }
0xd3: {  	[tilespmem:s20], [sflag:$0x1] =	stream.indirect_vreg.gather [hbm4b:s8+s3], $0x80, v13, vm0, $0xb8;
	[tilespmem:$0x19100] =	vst v63  }
0xd4: {  	v13 =	vld [tilespmem:$0x1070];
	_ =	sdelay $0x4  }
0xd5: {  	v14 =	vshrl.u32 v13, $0x3  }
0xd6: {  	v14 =	vmul.u32 $0x30, v14  }
0xd7: {  	v13 =	vand.u32 $0x7, v13  }
0xd8: {  	v13 =	vor.u32 v13, v14  }
0xd9: {  	v14 =	vperm.xlane v13, v10;
	_ =	sdelay $0x1  }
0xda: {  	v14 =	vadd.s32 v11, v14;
	_ =	sdelay $0x3  }
0xdb: {  	v13 =	vperm.xlane v13, v12  }
0xdc: {  	[tilespmem:s21], [sflag:$0x1] =	stream.indirect_vreg.gather [hbm4b:s2+s3], $0x80, v14, vm0, $0xb8;
	[tilespmem:$0x19100] =	vst v63  }
0xdd: {  	v13 =	vadd.s32 v11, v13  }
0xde: {  	[tilespmem:s22], [sflag:$0x1] =	stream.indirect_vreg.gather [hbm4b:s7+s3], $0x80, v14, vm0, $0xb8;
	[tilespmem:$0x19100] =	vst v63  }
0xdf: {  	_ = 	snop  }
0xe0: {  	[tilespmem:s23], [sflag:$0x1] =	stream.indirect_vreg.gather [hbm4b:s8+s3], $0x80, v14, vm0, $0xb8;
	[tilespmem:$0x19100] =	vst v63  }
0xe1: {  	_ = 	snop  }
0xe2: {  	[tilespmem:s24], [sflag:$0x1] =	stream.indirect_vreg.gather [hbm4b:s2+s3], $0x80, v13, vm0, $0xb8;
	[tilespmem:$0x19100] =	vst v63  }
0xe3: {  	_ = 	snop  }
0xe4: {  	[tilespmem:s25], [sflag:$0x1] =	stream.indirect_vreg.gather [hbm4b:s7+s3], $0x80, v13, vm0, $0xb8;
	[tilespmem:$0x19100] =	vst v63  }
0xe5: {  	_ = 	snop  }
0xe6: {  	[tilespmem:s26], [sflag:$0x1] =	stream.indirect_vreg.gather [hbm4b:s8+s3], $0x80, v13, vm0, $0xb8;
	[tilespmem:$0x19100] =	vst v63  }
0xe7: {  	s29 =	sadd.s32 $0x1, s29;
	_ =	swait.ge [sflag:s28], $0x18000  }
0xe8: {  	p0 =	sne.s32 s29, s10;
	[sflag:s28] =	ssyncset.done $0x0  }
.Ltmp1:
0xe9: {  	[sflag:s28] =	ssyncadd.s32 $0xFFFE8000;
	(pc) =	sbr.rel @p0 .LBB2_1-.Ltmp1, $4  }
0xea: {  	[hbm4b:s9+s3] =	stream.linear.scatter [tilespmem:s15], [sflag:$0x2], $0x18000, $0x38;
	[tilespmem:$0x19100] =	vst v63  }
0xeb: {  	_ =	swait.ge [sflag:s11], $0x18000  }
0xec: {  	[sflag:s11] =	ssyncset.done $0x0  }
0xed: {  	[sflag:s11] =	ssyncadd.s32 $0xFFFE8000  }
0xee: {  	_ =	sfence.sel $0x180000  }
0xef: {  	[bflag:$0x0] =	sbarrier.arrive $0xFFFF  }
0xf0: {  	_ =	strace $0x90000047  }
0xf1: {  	s0 =	stileid.u32;
	[bflag:$0x2] =	sbarrier.arrive $0xFFFF  }
0xf2: {  	p0 =	sne.s32 s0, $0x0;
	s0 =	rddreg [dreg:$0x3]  }
0xf3: {  	s0 =	sadd.s32 @!p0 $0x100000, s0  }
0xf4: {  	[sflag:s0] =	ssyncadd.tile.s32 @!p0 $0x1;
	_ =	shalt  }
.Lfunc_end2:
_tile_overlayer_lowered:
.L_overlay_start_2:
0xf5: {  	(tag) =	ssettag $0x2  }
0xf6: {  	s0 =	rddreg [dreg:$0x0];
	s2 =	stileid.u32  }
0xf7: {  	s1 =	rddreg [dreg:$0x1];
	p0 =	sne.s32 s2, $0x0  }
0xf8: {  	s3 =	rddreg [dreg:$0x2];
	[bflag:$0x3] =	sbarrier.arrive $0xFFFF;
	s2 =	simm.s32 @!p0 $0x1C02  }
0xf9: {  	[timem:s3], [sflag:s2] =	dma.local @!p0 [hbm:s0], s1  }
0xfa: {  	s0 =	simm.s32 @!p0 $0x2  }
0xfb: {  	_ =	swait.ge @!p0 [sflag:s0], s1  }
0xfc: {  	s1 =	ssub.s32 @!p0 $0x0, s1;
	[sflag:s0] =	ssyncset.done @!p0 $0x0  }
0xfd: {  	[sflag:s0] =	ssyncadd.s32 @!p0 s1  }
0xfe: {  	[bflag:$0x3] =	sbarrier.arrive $0xFFFF  }
0xff: {  	_ =	shalt  }

// kernel: kernel.9.cloned.1.call-start
scs
__scs_entry_jumppad:
0x0: {  	(pc) =	sbr.rel $0x88, $3  }
0x1: {  	(tag) =	ssettag $0x0;
	lr =	simm.s32 $0x1  }
0x2: {  	[smem:$0x3F9B] =	sst lr;
	_ =	strace $0xD0000000  }
0x3: {  	_ = 	snop  }
0x4: {  	_ = 	snop  }
0x5: {  	_ = 	snop  }
0x6: {  	_ = 	snop  }
0x7: {  	_ = 	snop  }
__scs_overlays_trampoline_lowered:
0x8: {  	[smem:$0x3FAA] =	sst s0  }
0x9: {  	[smem:$0x3FAB] =	sst s1  }
0xa: {  	[smem:$0x3FAC] =	sst s2  }
0xb: {  	[smem:$0x3FAD] =	sst s3  }
0xc: {  	[smem:$0x3FAE] =	sst s4  }
0xd: {  	[smem:$0x3FAF] =	sst s5  }
0xe: {  	[smem:$0x3FB0] =	sst s6  }
0xf: {  	[smem:$0x3FB1] =	sst s7  }
0x10: {  	[smem:$0x3FB2] =	sst s8  }
0x11: {  	[smem:$0x3FB3] =	sst s9;
	s0 =	simm.s32 @!p0 $0x0  }
0x12: {  	s1 =	sld [smem:$0x3F99];
	s0 =	simm.s32 @p0 $0x1  }
0x13: {  	[smem:$0x3FB4] =	sst s0;
	s0 =	simm.s32 @!p1 $0x0  }
0x14: {  	s2 =	sld [smem:$0x3F98];
	s0 =	simm.s32 @p1 $0x1  }
0x15: {  	[smem:$0x3FB5] =	sst s0;
	s0 =	simm.s32 @!p2 $0x0  }
0x16: {  	s3 =	sld [smem:$0x3FDB];
	s0 =	simm.s32 @p2 $0x1  }
0x17: {  	s4 =	simm.s32 $0x1BF5;
	[smem:$0x3FB7] =	sst s0  }
0x18: {  	s0 =	sld [smem:$0x3F9A];
	_ =	swait.ge [sflag:s4], $0x0  }
0x19: {  	s7 =	sld [smem:$0x3F9B]  }
0x1a: {  	s8 =	sadd.s32 $0xFFFFE003, lr  }
0x1b: {  	s9 =	sadd.s32 $0xFFFFFEF7, lr;
	s5 =	simm.s32 $0xFFFFFFFF;
	p2 =	slt.u32 s8, $0xFFFFF086  }
0x1c: {  	p1 =	slt.u32 s9, $0xF7A;
	s5 =	simm.s32 @!p2 $0x0  }
0x1d: {  	s5 =	simm.s32 @p1 $0x1;
	p0 =	seq.s32 s7, s2  }
0x1e: {  	s7 =	smul.u32 @!p0 $0xF7A, s2;
	p2 =	seq.s32 @!p0 s5, $0x0  }
0x1f: {  	s9 =	smul.u32 $0xF7A, s1;
	s8 =	simm.s32 @!p0 $0x1BF5;
	p2 =	por !p2, p0  }
0x20: {  	[sflag:s8] =	ssyncset.s32 @!p0 $0xFFFFF086;
	s6 =	sadd.s32 @!p0 s3, s7;
	s7 =	simm.s32 @!p0 $0x108  }
0x21: {  	s3 =	sadd.s32 s3, s9;
	s6 =	sadd.s32 @!p0 $0x88, s6;
	s7 =	simm.s32 @p2 $0x1082  }
0x22: {  	[simem:s7], [sflag:s8] =	dma.local @!p0 [hbm:s6], $0xF7A  }
0x23: {  	s9 =	sor.u32 $0xD0000000, s2;
	s6 =	simm.s32 $0x108;
	_ =	swait.ge @!p0 [sflag:s8], $0x0  }
0x24: {  	s3 =	sadd.s32 $0x88, s3;
	s6 =	simm.s32 @!p1 $0x1082;
	[sflag:s4] =	ssyncset.s32 $0xFFFFF086  }
0x25: {  	[simem:s6], [sflag:s4] =	dma.local [hbm:s3], $0xF7A  }
0x26: {  	[smem:$0x3F9B] =	sst s1;
	(tag) =	ssettag s2;
	_ =	strace s9  }
0x27: {  	s1 =	sld [smem:$0x3FAB]  }
0x28: {  	s2 =	sld [smem:$0x3FAC]  }
0x29: {  	s4 =	sld [smem:$0x3FAE]  }
0x2a: {  	p0 =	seq.s32 s5, $0x0;
	s5 =	sld [smem:$0x3FAF]  }
0x2b: {  	s6 =	sld [smem:$0x3FB0]  }
0x2c: {  	s7 =	sld [smem:$0x3FB1]  }
0x2d: {  	s3 =	simm.s32 $0x108;
	s8 =	sld [smem:$0x3FB2]  }
0x2e: {  	s3 =	simm.s32 @!p0 $0x1082;
	s9 =	sld [smem:$0x3FB3]  }
0x2f: {  	lr =	sadd.s32 s0, s3;
	s0 =	sld [smem:$0x3FAA]  }
0x30: {  	s3 =	sld [smem:$0x3FAD]  }
0x31: {  	[smem:$0x3FB6] =	sst s10  }
0x32: {  	s10 =	sld [smem:$0x3FB4];
	_ =	sdelay $0x3  }
0x33: {  	p0 =	seq.s32 s10, $0x1;
	s10 =	sld [smem:$0x3FB6];
	_ =	sdelay $0x3  }
0x34: {  	[smem:$0x3FB6] =	sst s10  }
0x35: {  	s10 =	sld [smem:$0x3FB5];
	_ =	sdelay $0x3  }
0x36: {  	p1 =	seq.s32 s10, $0x1;
	s10 =	sld [smem:$0x3FB6];
	_ =	sdelay $0x3  }
0x37: {  	[smem:$0x3FB6] =	sst s10  }
0x38: {  	s10 =	sld [smem:$0x3FB7]  }
0x39: {  	_ = 	snop;
	(pc) =	sbr.ind lr, $3  }
0x3a: {  	_ = 	snop  }
0x3b: {  	_ = 	snop  }
0x3c: {  	p2 =	seq.s32 s10, $0x1;
	s10 =	sld [smem:$0x3FB6]  }
0x3d: {  	_ =	shalt  }
0x3e: {  	_ =	shalt  }
0x3f: {  	_ =	shalt  }
0x40: {  	_ =	shalt  }
0x41: {  	_ =	shalt  }
0x42: {  	_ =	shalt  }
0x43: {  	_ =	shalt  }
0x44: {  	_ =	shalt  }
0x45: {  	_ =	shalt  }
0x46: {  	_ =	shalt  }
0x47: {  	_ =	shalt  }
0x48: {  	_ =	shalt  }
0x49: {  	_ =	shalt  }
0x4a: {  	_ =	shalt  }
0x4b: {  	_ =	shalt  }
0x4c: {  	_ =	shalt  }
0x4d: {  	_ =	shalt  }
0x4e: {  	_ =	shalt  }
0x4f: {  	_ =	shalt  }
0x50: {  	_ =	shalt  }
0x51: {  	_ =	shalt  }
0x52: {  	_ =	shalt  }
0x53: {  	_ =	shalt  }
0x54: {  	_ =	shalt  }
0x55: {  	_ =	shalt  }
0x56: {  	_ =	shalt  }
0x57: {  	_ =	shalt  }
0x58: {  	_ =	shalt  }
0x59: {  	_ =	shalt  }
0x5a: {  	_ =	shalt  }
0x5b: {  	_ =	shalt  }
0x5c: {  	_ =	shalt  }
0x5d: {  	_ =	shalt  }
0x5e: {  	_ =	shalt  }
0x5f: {  	_ =	shalt  }
0x60: {  	_ =	shalt  }
0x61: {  	_ =	shalt  }
0x62: {  	_ =	shalt  }
0x63: {  	_ =	shalt  }
0x64: {  	_ =	shalt  }
0x65: {  	_ =	shalt  }
0x66: {  	_ =	shalt  }
0x67: {  	_ =	shalt  }
0x68: {  	_ =	shalt  }
0x69: {  	_ =	shalt  }
0x6a: {  	_ =	shalt  }
0x6b: {  	_ =	shalt  }
0x6c: {  	_ =	shalt  }
0x6d: {  	_ =	shalt  }
0x6e: {  	_ =	shalt  }
0x6f: {  	_ =	shalt  }
0x70: {  	_ =	shalt  }
0x71: {  	_ =	shalt  }
0x72: {  	_ =	shalt  }
0x73: {  	_ =	shalt  }
0x74: {  	_ =	shalt  }
0x75: {  	_ =	shalt  }
0x76: {  	_ =	shalt  }
0x77: {  	_ =	shalt  }
0x78: {  	_ =	shalt  }
0x79: {  	_ =	shalt  }
0x7a: {  	_ =	shalt  }
0x7b: {  	_ =	shalt  }
0x7c: {  	_ =	shalt  }
0x7d: {  	_ =	shalt  }
0x7e: {  	_ =	shalt  }
0x7f: {  	_ =	shalt  }
0x80: {  	_ =	shalt  }
0x81: {  	_ =	shalt  }
0x82: {  	_ =	shalt  }
0x83: {  	_ =	shalt  }
0x84: {  	_ =	shalt  }
0x85: {  	_ =	shalt  }
0x86: {  	_ =	shalt  }
0x87: {  	_ =	shalt  }
.Lfunc_end0:
.L_simem_size_0:
called_computation.1_lowered:
.L_overlay_start_0:
0x88: {  	s2 =	sld [smem:$0x3FD9]  }
0x89: {  	s3 =	sld [smem:$0x3FFE];
	_ =	sdelay $0x1  }
0x8a: {  	s1 =	srdreg.scid  }
0x8b: {  	s0 =	sand.u32 $0x1, s1  }
0x8c: {  	s14 =	sshll.u32 s0, $0xA;
	s2 =	sadd.s32 s3, s2  }
0x8d: {  	s2 =	sadd.s32 s2, s14  }
0x8e: {  	[smem:$0x3FC2] =	sst s2  }
0x8f: {  	_ = 	snop  }
0x90: {  	s2 =	sld [smem:$0x3FD0];
	_ =	sdelay $0x2  }
0x91: {  	s15 =	simm.s32 $0xA;
	s4 =	simm.s32 $0x10  }
0x92: {  	[smem:s4], [sflag:s15] =	dma.local [hbm:s2], $0x1  }
0x93: {  	_ =	swait.eq [sflag:s15], $0x1  }
0x94: {  	[sflag:s15] =	ssyncset.done $0x0  }
0x95: {  	[sflag:s15] =	ssyncadd.s32 $0xFFFFFFFF  }
0x96: {  	s16 =	sld [smem:$0x10];
	(tm) =	ssettm $0x1  }
0x97: {  	s17 =	sld [smem:$0x3FFB];
	_ =	sdelay $0x3  }
0x98: {  	_ =	strace s17  }
0x99: {  	s3 =	sld [smem:$0x3FFC];
	_ =	sdelay $0x3  }
0x9a: {  	_ =	strace s3  }
0x9b: {  	s3 =	sld [smem:$0x3FFD];
	_ =	sdelay $0x3  }
0x9c: {  	_ =	strace s3  }
0x9d: {  	_ =	strace $0x8FFFFFFF  }
0x9e: {  	s18 =	sld [smem:$0x3FDB];
	_ =	sdelay $0x1  }
0x9f: {  	s19 =	simm.s32 $_scs_section_size  }
0xa0: {  	s5 =	simm.s32 $_size__tile_overlayer_lowered;
	s6 =	simm.s32 $_tile_overlayer_lowered  }
0xa1: {  	s22 =	simm.s32 $0x1BFF;
	s21 =	sshll.u32 s6, $0x1;
	s3 =	sadd.s32 s19, s18  }
0xa2: {  	s7 =	simm.s32 $0x0;
	s20 =	sshll.u32 s5, $0x1;
	s5 =	sadd.s32 s21, s3  }
0xa3: {  	[timem:s7], [sflag:s22] =	dma.local [hbm:s5], s20  }
0xa4: {  	_ =	swait.ge [sflag:s22], s20  }
0xa5: {  	s4 =	ssub.s32 $0x0, s20;
	[sflag:s22] =	ssyncset.done $0x0  }
0xa6: {  	[sflag:s22] =	ssyncadd.s32 s4;
	_ =	sdelay $0x1  }
0xa7: {  	s23 =	simm.s32 $0x1B8B  }
0xa8: {  	_ =	swait.ge [sflag:s23], $0x1  }
0xa9: {  	[sflag:s23] =	ssyncset.done $0x0  }
0xaa: {  	s25 =	simm.s32 $0x1B8E;
	s24 =	sld [smem:$0x3FFE];
	[sflag:s23] =	ssyncadd.s32 $0xFFFFFFFF  }
0xab: {  	s26 =	simm.s32 $execute0_lowered;
	[smem:$0x3FD2] =	sst s25  }
0xac: {  	s5 =	sshll.u32 s26, $0x1;
	_ =	strace $0x80000049;
	[dreg:$0x1] =	wrdreg $0xFFFFFFFF  }
0xad: {  	s28 =	simm.s32 $_size_execute0_lowered;
	s3 =	sadd.s32 s3, s5;
	[dreg:$0x0] =	wrdreg $0x0  }
0xae: {  	s5 =	sshll.u32 s28, $0x1;
	[dreg:$0x2] =	wrdreg s3  }
0xaf: {  	[dreg:$0x3] =	wrdreg s5  }
0xb0: {  	[dreg:$0x4] =	wrdreg $0xC0  }
0xb1: {  	_ =	task [dreg:s7], $0x5FFFF  }
0xb2: {  	[dreg:$0x1] =	wrdreg $0xFFFFFFFF  }
0xb3: {  	[dreg:$0x0] =	wrdreg $0x60  }
0xb4: {  	[dreg:$0x2] =	wrdreg s24  }
0xb5: {  	[dreg:$0x3] =	wrdreg s16  }
0xb6: {  	[dreg:$0x4] =	wrdreg $0x9  }
0xb7: {  	_ =	task.clear_ibuf [dreg:s7], $0x5FFFF;
	_ =	strace $0x90000049  }
0xb8: {  	s29 =	simm.s32 $0x9;
	_ =	strace $0x8000004B  }
0xb9: {  	_ =	swait.ge [sflag:s29], $0x1  }
0xba: {  	[sflag:s29] =	ssyncadd.s32 $0xFFFFFFFF  }
0xbb: {  	_ =	strace $0x9000004B  }
0xbc: {  	_ =	sfence  }
0xbd: {  	s30 =	sld [smem:$0x0];
	_ =	sdelay $0x2  }
0xbe: {  	s31 =	sshll.u32 s1, $0xD;
	s1 =	sshrl.u32 s1, $0x2  }
0xbf: {  	s3 =	sand.u32 $0x4000, s31;
	s1 =	sadd.s32 s1, s30  }
0xc0: {  	s0 =	sor.u32 s3, s0;
	s1 =	sshll.u32 s1, $0x11  }
0xc1: {  	s0 =	sor.u32 s1, s0  }
0xc2: {  	s0 =	sadd.s32 $0x8F2B, s0  }
0xc3: {  	[sflag:s0] =	ssyncadd.remote.s32 $0x1  }
0xc4: {  	_ =	sfence.sel $0xFFFF  }
0xc5: {  	[dreg:$0x0] =	wrdreg $0xFFFFFFFF;
	(pc) =	sbr.abs _section_cstart, $3  }
0xc6: {  	[dreg:$0x1] =	wrdreg $0xFFFFFFFF  }
0xc7: {  	_ =	task.clear_ibuf [dreg:s7], $0x2FFFF;
	_ =	strace $0x9FFFFFFF  }
0xc8: {  	(tm) =	ssettm $0x7FFFFFFF  }
0xc9: {  	_ =	shalt  }
tec
execute0_lowered:
.L_overlay_start_1:
0x0: {  	(tag) =	ssettag $0x1  }
0x1: {  	s0 =	rddreg [dreg:$0x0]  }
0x2: {  	s5 =	rddreg [dreg:$0x1];
	s3 =	srdreg.scid  }
0x3: {  	s2 =	simm.s32 $0x0;
	s1 =	stileid.u32;
	s26 =	simm.s32 $0x880  }
0x4: {  	s10 =	simm.s32 $0x1880;
	s11 =	simm.s32 $0x2080;
	s12 =	simm.s32 $0x2880  }
0x5: {  	s13 =	simm.s32 $0x3080;
	s14 =	simm.s32 $0x3880;
	s15 =	simm.s32 $0x4080  }
0x6: {  	s16 =	simm.s32 $0x4880;
	s17 =	simm.s32 $0x5080;
	s18 =	simm.s32 $0x5880  }
0x7: {  	s19 =	simm.s32 $0x6080;
	s20 =	simm.s32 $0x6880;
	s21 =	simm.s32 $0x7080  }
0x8: {  	s22 =	simm.s32 $0x7880;
	s28 =	simm.s32 $0xA080;
	s29 =	simm.s32 $0xA880  }
0x9: {  	s30 =	simm.s32 $0xB080;
	s31 =	simm.s32 $0xB880;
	s3 =	sand.u32 $0x1, s3  }
0xa: {  	[smem:$0x7FF] =	sst s2;
	s4 =	sshll.u32 s1, $0x4;
	s6 =	sshll.u32 s3, $0x3  }
0xb: {  	_ =	strace $0x8000004A;
	s23 =	ssub.s32 $0x2, s3;
	s3 =	sadd.s32 $0x1800, s0  }
0xc: {  	[dreg:$0x5] =	wrdreg s26;
	s26 =	simm.s32 $0x9880;
	s4 =	sor.u32 s6, s4  }
0xd: {  	s8 =	sshrl.u32 s23, $0x1;
	s7 =	sadd.s32 s4, s0;
	s9 =	smul.u32 $0x300, s4  }
0xe: {  	s6 =	ssub.s32 s23, s8;
	s4 =	sadd.s32 $0x1900, s0;
	s8 =	simm.s32 $0x80  }
0xf: {  	s23 =	simm.s32 $0x8080;
	s24 =	sadd.s32 $0x1600, s7;
	s6 =	smax.u32 s6, $0x1  }
0x10: {  	v2 =	vlaneseq.u32;
	s7 =	simm.s32 $0x2;
	[dreg:$0x3] =	wrdreg s24;
	s25 =	sadd.s32 s5, s9  }
0x11: {  	vm0 =	vmmov $0xffff;
	v1 =	vshrl.u32 v2, $0x3;
	s5 =	sadd.s32 $0x1A00, s0;
	s9 =	simm.s32 $0x1080;
	s24 =	simm.s32 $0x8880  }
0x12: {  	v0 =	vand.u32 $0x7, v2;
	v2 =	vor.u32 $0x8, v2;
	v1 =	vmul.u32 $0x8, v1;
	s0 =	simm.s32 $0x1;
	[dreg:$0x4] =	wrdreg s25;
	s25 =	simm.s32 $0x9080  }
.LBB2_1:
0x13: {  	s1 =	rddreg [dreg:$0x3]  }
0x14: {  	[tilespmem:s2], [sflag:$0x2] =	stream.linear.gather [hbm4b:s1+s2], $0x40, $0x38;
	[tilespmem:$0xC080] =	vst v63  }
0x15: {  	_ =	swait.ge [sflag:s7], $0x40  }
0x16: {  	[sflag:s7] =	ssyncset.done $0x0  }
0x17: {  	[sflag:s7] =	ssyncadd.s32 $0xFFFFFFC0  }
0x18: {  	v3 =	vld [tilespmem:$0x0];
	_ =	sdelay $0x4  }
0x19: {  	v4 =	vshrl.u32 v3, $0x3  }
0x1a: {  	v4 =	vmul.u32 $0x30, v4  }
0x1b: {  	v3 =	vand.u32 $0x7, v3  }
0x1c: {  	v3 =	vor.u32 v3, v4  }
0x1d: {  	v4 =	vperm.xlane v3, v0;
	_ =	sdelay $0x1  }
0x1e: {  	v4 =	vadd.s32 v1, v4;
	_ =	sdelay $0x3  }
0x1f: {  	v3 =	vperm.xlane v3, v2  }
0x20: {  	[tilespmem:s8], [sflag:$0x1] =	stream.indirect_vreg.gather [hbm4b:s3+s2], $0x80, v4, vm0, $0xb8;
	[tilespmem:$0xC080] =	vst v63  }
0x21: {  	s1 =	rddreg [dreg:$0x5];
	v3 =	vadd.s32 v1, v3  }
0x22: {  	[tilespmem:s1], [sflag:$0x1] =	stream.indirect_vreg.gather [hbm4b:s4+s2], $0x80, v4, vm0, $0xb8;
	[tilespmem:$0xC080] =	vst v63  }
0x23: {  	_ = 	snop  }
0x24: {  	[tilespmem:s9], [sflag:$0x1] =	stream.indirect_vreg.gather [hbm4b:s5+s2], $0x80, v4, vm0, $0xb8;
	[tilespmem:$0xC080] =	vst v63  }
0x25: {  	_ = 	snop  }
0x26: {  	[tilespmem:s10], [sflag:$0x1] =	stream.indirect_vreg.gather [hbm4b:s3+s2], $0x80, v3, vm0, $0xb8;
	[tilespmem:$0xC080] =	vst v63  }
0x27: {  	_ = 	snop  }
0x28: {  	[tilespmem:s11], [sflag:$0x1] =	stream.indirect_vreg.gather [hbm4b:s4+s2], $0x80, v3, vm0, $0xb8;
	[tilespmem:$0xC080] =	vst v63  }
0x29: {  	_ = 	snop  }
0x2a: {  	[tilespmem:s12], [sflag:$0x1] =	stream.indirect_vreg.gather [hbm4b:s5+s2], $0x80, v3, vm0, $0xb8;
	[tilespmem:$0xC080] =	vst v63  }
0x2b: {  	v3 =	vld [tilespmem:$0x10];
	_ =	sdelay $0x4  }
0x2c: {  	v61 =	vshrl.u32 v3, $0x3  }
0x2d: {  	v4 =	vmul.u32 $0x30, v61  }
0x2e: {  	v3 =	vand.u32 $0x7, v3  }
0x2f: {  	v3 =	vor.u32 v3, v4  }
0x30: {  	v4 =	vperm.xlane v3, v0;
	_ =	sdelay $0x1  }
0x31: {  	v4 =	vadd.s32 v1, v4;
	_ =	sdelay $0x3  }
0x32: {  	v3 =	vperm.xlane v3, v2  }
0x33: {  	[tilespmem:s13], [sflag:$0x1] =	stream.indirect_vreg.gather [hbm4b:s3+s2], $0x80, v4, vm0, $0xb8;
	[tilespmem:$0xC080] =	vst v63  }
0x34: {  	v3 =	vadd.s32 v1, v3  }
0x35: {  	[tilespmem:s14], [sflag:$0x1] =	stream.indirect_vreg.gather [hbm4b:s4+s2], $0x80, v4, vm0, $0xb8;
	[tilespmem:$0xC080] =	vst v63  }
0x36: {  	_ = 	snop  }
0x37: {  	[tilespmem:s15], [sflag:$0x1] =	stream.indirect_vreg.gather [hbm4b:s5+s2], $0x80, v4, vm0, $0xb8;
	[tilespmem:$0xC080] =	vst v63  }
0x38: {  	_ = 	snop  }
0x39: {  	[tilespmem:s16], [sflag:$0x1] =	stream.indirect_vreg.gather [hbm4b:s3+s2], $0x80, v3, vm0, $0xb8;
	[tilespmem:$0xC080] =	vst v63  }
0x3a: {  	_ = 	snop  }
0x3b: {  	[tilespmem:s17], [sflag:$0x1] =	stream.indirect_vreg.gather [hbm4b:s4+s2], $0x80, v3, vm0, $0xb8;
	[tilespmem:$0xC080] =	vst v63  }
0x3c: {  	_ = 	snop  }
0x3d: {  	[tilespmem:s18], [sflag:$0x1] =	stream.indirect_vreg.gather [hbm4b:s5+s2], $0x80, v3, vm0, $0xb8;
	[tilespmem:$0xC080] =	vst v63  }
0x3e: {  	v3 =	vld [tilespmem:$0x20];
	_ =	sdelay $0x4  }
0x3f: {  	v62 =	vshrl.u32 v3, $0x3  }
0x40: {  	v4 =	vmul.u32 $0x30, v62  }
0x41: {  	v3 =	vand.u32 $0x7, v3  }
0x42: {  	v3 =	vor.u32 v3, v4  }
0x43: {  	v4 =	vperm.xlane v3, v0;
	_ =	sdelay $0x1  }
0x44: {  	v4 =	vadd.s32 v1, v4;
	_ =	sdelay $0x3  }
0x45: {  	v3 =	vperm.xlane v3, v2  }
0x46: {  	[tilespmem:s19], [sflag:$0x1] =	stream.indirect_vreg.gather [hbm4b:s3+s2], $0x80, v4, vm0, $0xb8;
	[tilespmem:$0xC080] =	vst v63  }
0x47: {  	v3 =	vadd.s32 v1, v3  }
0x48: {  	[tilespmem:s20], [sflag:$0x1] =	stream.indirect_vreg.gather [hbm4b:s4+s2], $0x80, v4, vm0, $0xb8;
	[tilespmem:$0xC080] =	vst v63  }
0x49: {  	_ = 	snop  }
0x4a: {  	[tilespmem:s21], [sflag:$0x1] =	stream.indirect_vreg.gather [hbm4b:s5+s2], $0x80, v4, vm0, $0xb8;
	[tilespmem:$0xC080] =	vst v63  }
0x4b: {  	_ = 	snop  }
0x4c: {  	[tilespmem:s22], [sflag:$0x1] =	stream.indirect_vreg.gather [hbm4b:s3+s2], $0x80, v3, vm0, $0xb8;
	[tilespmem:$0xC080] =	vst v63  }
0x4d: {  	_ = 	snop  }
0x4e: {  	[tilespmem:s23], [sflag:$0x1] =	stream.indirect_vreg.gather [hbm4b:s4+s2], $0x80, v3, vm0, $0xb8;
	[tilespmem:$0xC080] =	vst v63  }
0x4f: {  	_ = 	snop  }
0x50: {  	[tilespmem:s24], [sflag:$0x1] =	stream.indirect_vreg.gather [hbm4b:s5+s2], $0x80, v3, vm0, $0xb8;
	[tilespmem:$0xC080] =	vst v63  }
0x51: {  	v3 =	vld [tilespmem:$0x30];
	_ =	sdelay $0x4  }
0x52: {  	v63 =	vshrl.u32 v3, $0x3  }
0x53: {  	v4 =	vmul.u32 $0x30, v63  }
0x54: {  	v3 =	vand.u32 $0x7, v3  }
0x55: {  	v3 =	vor.u32 v3, v4  }
0x56: {  	v4 =	vperm.xlane v3, v0;
	_ =	sdelay $0x1  }
0x57: {  	v4 =	vadd.s32 v1, v4;
	_ =	sdelay $0x3  }
0x58: {  	v3 =	vperm.xlane v3, v2  }
0x59: {  	[tilespmem:s25], [sflag:$0x1] =	stream.indirect_vreg.gather [hbm4b:s3+s2], $0x80, v4, vm0, $0xb8;
	[tilespmem:$0xC080] =	vst v63  }
0x5a: {  	v3 =	vadd.s32 v1, v3  }
0x5b: {  	[tilespmem:s26], [sflag:$0x1] =	stream.indirect_vreg.gather [hbm4b:s4+s2], $0x80, v4, vm0, $0xb8;
	[tilespmem:$0xC080] =	vst v63  }
0x5c: {  	_ = 	snop  }
0x5d: {  	[tilespmem:s28], [sflag:$0x1] =	stream.indirect_vreg.gather [hbm4b:s5+s2], $0x80, v4, vm0, $0xb8;
	[tilespmem:$0xC080] =	vst v63  }
0x5e: {  	_ = 	snop  }
0x5f: {  	[tilespmem:s29], [sflag:$0x1] =	stream.indirect_vreg.gather [hbm4b:s3+s2], $0x80, v3, vm0, $0xb8;
	[tilespmem:$0xC080] =	vst v63  }
0x60: {  	_ = 	snop  }
0x61: {  	[tilespmem:s30], [sflag:$0x1] =	stream.indirect_vreg.gather [hbm4b:s4+s2], $0x80, v3, vm0, $0xb8;
	[tilespmem:$0xC080] =	vst v63  }
0x62: {  	_ = 	snop  }
0x63: {  	[tilespmem:s31], [sflag:$0x1] =	stream.indirect_vreg.gather [hbm4b:s5+s2], $0x80, v3, vm0, $0xb8;
	[tilespmem:$0xC080] =	vst v63  }
0x64: {  	_ =	swait.ge [sflag:s0], $0xC000  }
0x65: {  	p0 =	sne.s32 s6, $0x1;
	[sflag:s0] =	ssyncset.done $0x0  }
.Ltmp0:
0x66: {  	s1 =	rddreg [dreg:$0x4];
	[sflag:s0] =	ssyncadd.s32 $0xFFFF4000;
	(pc) =	sbr.rel @p0 .LBB2_1-.Ltmp0, $4  }
0x67: {  	[hbm4b:s1+s2] =	stream.linear.scatter [tilespmem:s8], [sflag:$0x2], $0xC000, $0x38;
	[tilespmem:$0xC080] =	vst v63  }
0x68: {  	_ =	swait.ge [sflag:s7], $0xC000  }
0x69: {  	[sflag:s7] =	ssyncset.done $0x0  }
0x6a: {  	s6 =	sadd.s32 $0xFFFFFFFF, s6;
	[sflag:s7] =	ssyncadd.s32 $0xFFFF4000  }
0x6b: {  	_ =	sfence.sel $0x180000  }
0x6c: {  	[bflag:$0x0] =	sbarrier.arrive $0xFFFF  }
0x6d: {  	_ =	strace $0x9000004A  }
0x6e: {  	s0 =	stileid.u32;
	[bflag:$0x2] =	sbarrier.arrive $0xFFFF  }
0x6f: {  	p0 =	sne.s32 s0, $0x0;
	s0 =	rddreg [dreg:$0x2]  }
0x70: {  	s0 =	sadd.s32 @!p0 $0x100000, s0  }
0x71: {  	[sflag:s0] =	ssyncadd.tile.s32 @!p0 $0x1;
	_ =	shalt  }
.Lfunc_end2:
_tile_overlayer_lowered:
.L_overlay_start_2:
0x72: {  	(tag) =	ssettag $0x2  }
0x73: {  	s0 =	rddreg [dreg:$0x0];
	s2 =	stileid.u32  }
0x74: {  	s1 =	rddreg [dreg:$0x1];
	p0 =	sne.s32 s2, $0x0  }
0x75: {  	s3 =	rddreg [dreg:$0x2];
	[bflag:$0x3] =	sbarrier.arrive $0xFFFF;
	s2 =	simm.s32 @!p0 $0x1C02  }
0x76: {  	[timem:s3], [sflag:s2] =	dma.local @!p0 [hbm:s0], s1  }
0x77: {  	s0 =	simm.s32 @!p0 $0x2  }
0x78: {  	_ =	swait.ge @!p0 [sflag:s0], s1  }
0x79: {  	s1 =	ssub.s32 @!p0 $0x0, s1;
	[sflag:s0] =	ssyncset.done @!p0 $0x0  }
0x7a: {  	[sflag:s0] =	ssyncadd.s32 @!p0 s1  }
0x7b: {  	[bflag:$0x3] =	sbarrier.arrive $0xFFFF  }
0x7c: {  	_ =	shalt  }

</sc_bundles>
